<compile_context>
chip_gen: v7x
topology: tpu7x:2x2x1
jax: 0.10.2.dev20260603
libtpu: 0.0.44.dev20260713+nightly
codegen_flags: <defaults>
</compile_context>

<pallas_src>
import jax
import jax.numpy as jnp
from jax import lax
from jax.experimental import pallas as pl
from jax.experimental.pallas import tpu as pltpu
from jax.experimental.pallas import tpu_sc as plsc

_B = 16384
_NSUB = 16
_ROWS_PER_TILE = _B // _NSUB
_PWORDS = _ROWS_PER_TILE * 8
_TWORDS = _ROWS_PER_TILE * 4
_ITERS = _ROWS_PER_TILE // 16
_THIRD = 1.0 / 3.0
_INV_B = 1.0 / _B


def _round_half_even_int(x):
    y = x + 0.5
    n = y.astype(jnp.int32)
    n = n - jnp.where(n.astype(jnp.float32) > y, 1, 0)
    tie = (n.astype(jnp.float32) == y) & ((n & 1) == 1)
    return n - jnp.where(tie, 1, 0)


def _body(pred_hbm, target_hbm, out_hbm, pred_v, tgt_v, acc_v, gath_v,
          obuf_v, shared_v, sem0, sem1):
    s = lax.axis_index("s")

    ph = _PWORDS // 2
    th = _TWORDS // 2
    cp_p0 = pltpu.async_copy(pred_hbm.at[pl.ds(s * _PWORDS, ph)],
                             pred_v.at[pl.ds(0, ph)], sem0)
    cp_t0 = pltpu.async_copy(target_hbm.at[pl.ds(s * _TWORDS, th)],
                             tgt_v.at[pl.ds(0, th)], sem0)
    cp_p1 = pltpu.async_copy(pred_hbm.at[pl.ds(s * _PWORDS + ph, ph)],
                             pred_v.at[pl.ds(ph, ph)], sem1)
    cp_t1 = pltpu.async_copy(target_hbm.at[pl.ds(s * _TWORDS + th, th)],
                             tgt_v.at[pl.ds(th, th)], sem1)

    iota = lax.iota(jnp.int32, 16)
    piota = iota * 8
    tiota = iota * 4

    def step(i, acc):
        pb = i * 128
        tb = i * 64
        t0 = plsc.load_gather(tgt_v, [tb + tiota])
        t1 = plsc.load_gather(tgt_v, [tb + tiota + 1])
        t2 = plsc.load_gather(tgt_v, [tb + tiota + 2])
        t3 = plsc.load_gather(tgt_v, [tb + tiota + 3])
        n = _round_half_even_int(t0)
        m0 = jnp.where(n == 0, 1.0, 0.0)
        m1 = jnp.where(n == 1, 1.0, 0.0)
        m2 = jnp.where(n == 2, _THIRD, 0.0)
        m3 = jnp.where(n == 3, _THIRD, 0.0)
        p0 = plsc.load_gather(pred_v, [pb + piota])
        p1 = plsc.load_gather(pred_v, [pb + piota + 1])
        p2 = plsc.load_gather(pred_v, [pb + piota + 2])
        p3 = plsc.load_gather(pred_v, [pb + piota + 3])
        p4 = plsc.load_gather(pred_v, [pb + piota + 4])
        p5 = plsc.load_gather(pred_v, [pb + piota + 5])
        p6 = plsc.load_gather(pred_v, [pb + piota + 6])
        p7 = plsc.load_gather(pred_v, [pb + piota + 7])
        d0 = p0 - t1
        d1 = p1 - t1
        r0 = p2 - t1
        r1 = p3 - t2
        r2 = p4 - t3
        u0 = p5 - t1
        u1 = p6 - t2
        u2 = p7 - t3
        a = m0 * (d0 * d0) + m1 * (d1 * d1)
        a = a + m2 * (r0 * r0 + r1 * r1 + r2 * r2)
        a = a + m3 * (u0 * u0 + u1 * u1 + u2 * u2)
        return acc + a

    cp_p0.wait()
    cp_t0.wait()
    acc = lax.fori_loop(0, _ITERS // 2, step, jnp.zeros((16,), jnp.float32),
                        unroll=2)
    cp_p1.wait()
    cp_t1.wait()
    acc = lax.fori_loop(_ITERS // 2, _ITERS, step, acc, unroll=2)

    acc_v[...] = acc * _INV_B
    pltpu.sync_copy(acc_v, shared_v.at[pl.ds(s * 16, 16)])

    plsc.subcore_barrier()

    @pl.when(s == 0)
    def _finalize():
        pltpu.sync_copy(shared_v, gath_v)
        tot = gath_v[pl.ds(0, 16)]
        for r in range(1, _NSUB):
            tot = tot + gath_v[pl.ds(r * 16, 16)]
        loss = jnp.sum(tot)
        obuf_v[...] = jnp.broadcast_to(loss, (16,))
        pltpu.sync_copy(obuf_v.at[pl.ds(0, 1)], out_hbm)


def _loss(pred_flat, target_flat):
    mesh = plsc.VectorSubcoreMesh(core_axis_name="c", subcore_axis_name="s",
                                  num_cores=1)
    return pl.kernel(
        _body,
        out_type=jax.ShapeDtypeStruct((1,), jnp.float32),
        mesh=mesh,
        scratch_types=[
            pltpu.VMEM((_PWORDS,), jnp.float32),
            pltpu.VMEM((_TWORDS,), jnp.float32),
            pltpu.VMEM((16,), jnp.float32),
            pltpu.VMEM((_NSUB * 16,), jnp.float32),
            pltpu.VMEM((16,), jnp.float32),
            pltpu.VMEM_SHARED((_NSUB * 16,), jnp.float32),
            pltpu.SemaphoreType.DMA,
            pltpu.SemaphoreType.DMA,
        ],
        compiler_params=pltpu.CompilerParams(needs_layout_passes=False),
        name="action_loss8d_sc",
    )(pred_flat, target_flat)


def kernel(pred, target):
    out = _loss(pred.reshape(-1), target.reshape(-1))
    return out.reshape(())

# --- scband reference (transcript-rebuilt; emitter-appended) ---
"""Pipeline reference for scband-action-loss8-d-11562051961327 (READ-ONLY COPY).

The authoritative reference and input builder live on the scoring server;
editing this copy changes nothing except your own understanding.
"""

import jax, jax.numpy as jnp
import numpy as np

B = 16384
CLOSE_W = 1.0
TRANS_W = 1.0
ROT_W = 1.0
TUNE_W = 1.0


def setup_inputs(seed: int = 0) -> dict:
    key = jax.random.key(seed)
    k1, k2 = jax.random.split(key)
    pred = jax.random.normal(k1, (B, 8), dtype=jnp.float32)
    target = jax.random.uniform(k2, (B, 4), dtype=jnp.float32)
    return {"pred": pred, "target": target}


def reference(pred, target):
    # Faithful translation of ActionLoss8D.forward with reduce=True and l2 losses.
    # Per-branch: mse_mean_over_selected * (cnt * weight / B)
    #   == sum(mask * sq) / (cnt * dim) * cnt * weight / B
    #   == sum(mask * sq) * weight / (dim * B)   (exact, and 0 when cnt==0)
    b = pred.shape[0]
    action_idx = jnp.round(target[:, 0]).astype(jnp.int32)
    m0 = (action_idx == 0).astype(pred.dtype)
    m1 = (action_idx == 1).astype(pred.dtype)
    m2 = (action_idx == 2).astype(pred.dtype)
    m3 = (action_idx == 3).astype(pred.dtype)

    loss = jnp.zeros((), dtype=pred.dtype)
    # i == 0: close, pred col 0 vs target col 1 (dim=1)
    d = pred[:, 0] - target[:, 1]
    loss = loss + jnp.sum(m0 * d * d) * CLOSE_W / (1.0 * b)
    # i == 1: translation, pred col 1 vs target col 1 (dim=1)
    d = pred[:, 1] - target[:, 1]
    loss = loss + jnp.sum(m1 * d * d) * TRANS_W / (1.0 * b)
    # i == 2: rotation, pred cols 2:5 vs target cols 1:4 (dim=3)
    d = pred[:, 2:5] - target[:, 1:4]
    loss = loss + jnp.sum(m2[:, None] * d * d) * ROT_W / (3.0 * b)
    # i == 3: tune, pred cols 5:8 vs target cols 1:4 (dim=3)
    d = pred[:, 5:8] - target[:, 1:4]
    loss = loss + jnp.sum(m3[:, None] * d * d) * TUNE_W / (3.0 * b)
    return loss

if __name__ == "__main__":
    import jax
    _d = setup_inputs()
    print(jax.jit(kernel)(*tuple(_d.values())))

</pallas_src>

<mosaic_0001>
#map = affine_map<(d0, d1) -> (0)>
module attributes {stable_mosaic.version = 14 : i64} {
  func.func @action_loss8d_sc(%arg0: i32, %arg1: i32, %arg2: memref<131072xf32, #tpu.memory_space<hbm>>, %arg3: memref<65536xf32, #tpu.memory_space<hbm>>, %arg4: memref<1xf32, #tpu.memory_space<hbm>>, %arg5: memref<8192xf32, #tpu.memory_space<vmem>>, %arg6: memref<4096xf32, #tpu.memory_space<vmem>>, %arg7: memref<16xf32, #tpu.memory_space<vmem>>, %arg8: memref<256xf32, #tpu.memory_space<vmem>>, %arg9: memref<16xf32, #tpu.memory_space<vmem>>, %arg10: memref<256xf32, #tpu.memory_space<vmem_shared>>, %arg11: memref<!tpu.dma_semaphore, #tpu.memory_space<semaphore_mem>>, %arg12: memref<!tpu.dma_semaphore, #tpu.memory_space<semaphore_mem>>) attributes {dimension_semantics = [#tpu.dimension_semantics<core_parallel>, #tpu.dimension_semantics<subcore_parallel>], iteration_bounds = array<i64: 1, 16>, scalar_prefetch = 0 : i64, scratch_operands = 8 : i64, tpu.core_type = #tpu.core_type<sc_vector_subcore>, window_params = [{transform_indices = #map}, {transform_indices = #map}, {transform_indices = #map}]} {
    %mul3A = arith.constant 8192 : i32
    %mul3A_0 = arith.muli %arg1, %mul3A : i32
    %dma_start3A = arith.constant 0 : i32
    %dma_start3A_1 = tpu.memref_slice %arg5[%dma_start3A] : memref<8192xf32, #tpu.memory_space<vmem>> -> memref<4096xf32, #tpu.memory_space<vmem>>
    %dma_start3A_2 = tpu.memref_slice %arg2[%mul3A_0] : memref<131072xf32, #tpu.memory_space<hbm>> -> memref<4096xf32, #tpu.memory_space<hbm>>
    %dma_start3A_3 = arith.constant 0 : i32
    %dma_start3A_4 = tpu.memref_slice %arg5[%dma_start3A_3] : memref<8192xf32, #tpu.memory_space<vmem>> -> memref<4096xf32, #tpu.memory_space<vmem>>
    %dma_start3A_5 = tpu.memref_slice %arg2[%mul3A_0] : memref<131072xf32, #tpu.memory_space<hbm>> -> memref<4096xf32, #tpu.memory_space<hbm>>
    tpu.enqueue_dma source(%dma_start3A_5 : memref<4096xf32, #tpu.memory_space<hbm>>) target(%dma_start3A_4 : memref<4096xf32, #tpu.memory_space<vmem>>) target_semaphore(%arg11 : memref<!tpu.dma_semaphore, #tpu.memory_space<semaphore_mem>>)
    %mul3A_6 = arith.constant 4096 : i32
    %mul3A_7 = arith.muli %arg1, %mul3A_6 : i32
    %dma_start3A_8 = arith.constant 0 : i32
    %dma_start3A_9 = tpu.memref_slice %arg6[%dma_start3A_8] : memref<4096xf32, #tpu.memory_space<vmem>> -> memref<2048xf32, #tpu.memory_space<vmem>>
    %dma_start3A_10 = tpu.memref_slice %arg3[%mul3A_7] : memref<65536xf32, #tpu.memory_space<hbm>> -> memref<2048xf32, #tpu.memory_space<hbm>>
    %dma_start3A_11 = arith.constant 0 : i32
    %dma_start3A_12 = tpu.memref_slice %arg6[%dma_start3A_11] : memref<4096xf32, #tpu.memory_space<vmem>> -> memref<2048xf32, #tpu.memory_space<vmem>>
    %dma_start3A_13 = tpu.memref_slice %arg3[%mul3A_7] : memref<65536xf32, #tpu.memory_space<hbm>> -> memref<2048xf32, #tpu.memory_space<hbm>>
    tpu.enqueue_dma source(%dma_start3A_13 : memref<2048xf32, #tpu.memory_space<hbm>>) target(%dma_start3A_12 : memref<2048xf32, #tpu.memory_space<vmem>>) target_semaphore(%arg11 : memref<!tpu.dma_semaphore, #tpu.memory_space<semaphore_mem>>)
    %mul3A_14 = arith.constant 8192 : i32
    %mul3A_15 = arith.muli %arg1, %mul3A_14 : i32
    %add3A = arith.constant 4096 : i32
    %add3A_16 = arith.addi %mul3A_15, %add3A : i32
    %dma_start3A_17 = arith.constant 4096 : i32
    %dma_start3A_18 = tpu.memref_slice %arg5[%dma_start3A_17] : memref<8192xf32, #tpu.memory_space<vmem>> -> memref<4096xf32, #tpu.memory_space<vmem>>
    %dma_start3A_19 = tpu.memref_slice %arg2[%add3A_16] : memref<131072xf32, #tpu.memory_space<hbm>> -> memref<4096xf32, #tpu.memory_space<hbm>>
    %dma_start3A_20 = arith.constant 4096 : i32
    %dma_start3A_21 = tpu.memref_slice %arg5[%dma_start3A_20] : memref<8192xf32, #tpu.memory_space<vmem>> -> memref<4096xf32, #tpu.memory_space<vmem>>
    %dma_start3A_22 = tpu.memref_slice %arg2[%add3A_16] : memref<131072xf32, #tpu.memory_space<hbm>> -> memref<4096xf32, #tpu.memory_space<hbm>>
    tpu.enqueue_dma source(%dma_start3A_22 : memref<4096xf32, #tpu.memory_space<hbm>>) target(%dma_start3A_21 : memref<4096xf32, #tpu.memory_space<vmem>>) target_semaphore(%arg12 : memref<!tpu.dma_semaphore, #tpu.memory_space<semaphore_mem>>)
    %mul3A_23 = arith.constant 4096 : i32
    %mul3A_24 = arith.muli %arg1, %mul3A_23 : i32
    %add3A_25 = arith.constant 2048 : i32
    %add3A_26 = arith.addi %mul3A_24, %add3A_25 : i32
    %dma_start3A_27 = arith.constant 2048 : i32
    %dma_start3A_28 = tpu.memref_slice %arg6[%dma_start3A_27] : memref<4096xf32, #tpu.memory_space<vmem>> -> memref<2048xf32, #tpu.memory_space<vmem>>
    %dma_start3A_29 = tpu.memref_slice %arg3[%add3A_26] : memref<65536xf32, #tpu.memory_space<hbm>> -> memref<2048xf32, #tpu.memory_space<hbm>>
    %dma_start3A_30 = arith.constant 2048 : i32
    %dma_start3A_31 = tpu.memref_slice %arg6[%dma_start3A_30] : memref<4096xf32, #tpu.memory_space<vmem>> -> memref<2048xf32, #tpu.memory_space<vmem>>
    %dma_start3A_32 = tpu.memref_slice %arg3[%add3A_26] : memref<65536xf32, #tpu.memory_space<hbm>> -> memref<2048xf32, #tpu.memory_space<hbm>>
    tpu.enqueue_dma source(%dma_start3A_32 : memref<2048xf32, #tpu.memory_space<hbm>>) target(%dma_start3A_31 : memref<2048xf32, #tpu.memory_space<vmem>>) target_semaphore(%arg12 : memref<!tpu.dma_semaphore, #tpu.memory_space<semaphore_mem>>)
    %iota3A = tpu.iota {dimensions = array<i32: 0>} : vector<16xi32>
    %mul3A_33 = arith.constant 8 : i32
    %mul3A_34 = vector.broadcast %mul3A_33 : i32 to vector<16xi32>
    %mul3A_35 = arith.muli %iota3A, %mul3A_34 : vector<16xi32>
    %mul3A_36 = arith.constant 4 : i32
    %mul3A_37 = vector.broadcast %mul3A_36 : i32 to vector<16xi32>
    %mul3A_38 = arith.muli %iota3A, %mul3A_37 : vector<16xi32>
    %dma_wait3A = arith.constant 0 : i32
    %dma_wait3A_39 = tpu.memref_slice %arg5[%dma_wait3A] : memref<8192xf32, #tpu.memory_space<vmem>> -> memref<4096xf32, #tpu.memory_space<vmem>>
    %dma_wait3A_40 = tpu.memref_slice %arg2[%mul3A_0] : memref<131072xf32, #tpu.memory_space<hbm>> -> memref<4096xf32, #tpu.memory_space<hbm>>
    %dma_wait3A_41 = arith.constant 0 : i32
    %dma_wait3A_42 = tpu.memref_slice %arg5[%dma_wait3A_41] : memref<8192xf32, #tpu.memory_space<vmem>> -> memref<4096xf32, #tpu.memory_space<vmem>>
    %dma_wait3A_43 = tpu.memref_slice %arg2[%mul3A_0] : memref<131072xf32, #tpu.memory_space<hbm>> -> memref<4096xf32, #tpu.memory_space<hbm>>
    tpu.wait_dma2 semaphore(%arg11 : memref<!tpu.dma_semaphore, #tpu.memory_space<semaphore_mem>>) src(%dma_wait3A_43 : memref<4096xf32, #tpu.memory_space<hbm>>) dst(%dma_wait3A_42 : memref<4096xf32, #tpu.memory_space<vmem>>)
    %dma_wait3A_44 = arith.constant 0 : i32
    %dma_wait3A_45 = tpu.memref_slice %arg6[%dma_wait3A_44] : memref<4096xf32, #tpu.memory_space<vmem>> -> memref<2048xf32, #tpu.memory_space<vmem>>
    %dma_wait3A_46 = tpu.memref_slice %arg3[%mul3A_7] : memref<65536xf32, #tpu.memory_space<hbm>> -> memref<2048xf32, #tpu.memory_space<hbm>>
    %dma_wait3A_47 = arith.constant 0 : i32
    %dma_wait3A_48 = tpu.memref_slice %arg6[%dma_wait3A_47] : memref<4096xf32, #tpu.memory_space<vmem>> -> memref<2048xf32, #tpu.memory_space<vmem>>
    %dma_wait3A_49 = tpu.memref_slice %arg3[%mul3A_7] : memref<65536xf32, #tpu.memory_space<hbm>> -> memref<2048xf32, #tpu.memory_space<hbm>>
    tpu.wait_dma2 semaphore(%arg11 : memref<!tpu.dma_semaphore, #tpu.memory_space<semaphore_mem>>) src(%dma_wait3A_49 : memref<2048xf32, #tpu.memory_space<hbm>>) dst(%dma_wait3A_48 : memref<2048xf32, #tpu.memory_space<vmem>>)
    %broadcast_in_dim3A = arith.constant 0.000000e+00 : f32
    %broadcast_in_dim3A_50 = vector.broadcast %broadcast_in_dim3A : f32 to vector<16xf32>
    %scan3A = arith.constant 0 : i32
    %scan3A_51 = arith.constant 32 : i32
    %scan3A_52 = arith.addi %scan3A, %scan3A_51 : i32
    %scan3A_53 = arith.constant 2 : i32
    %scan3A_54 = scf.for %scan3A_82 = %scan3A to %scan3A_52 step %scan3A_53 iter_args(%scan3A_83 = %broadcast_in_dim3A_50) -> (vector<16xf32>)  : i32 {
      %mul3A_84 = arith.constant 128 : i32
      %mul3A_85 = arith.muli %scan3A_82, %mul3A_84 : i32
      %mul3A_86 = arith.constant 64 : i32
      %mul3A_87 = arith.muli %scan3A_82, %mul3A_86 : i32
      %add3A_88 = vector.broadcast %mul3A_87 : i32 to vector<16xi32>
      %add3A_89 = arith.addi %add3A_88, %mul3A_38 : vector<16xi32>
      %gather3A = tpu.vector_load_idx %arg6[%add3A_89] : memref<4096xf32, #tpu.memory_space<vmem>>[vector<16xi32>], vector<16xf32>,
      %add3A_90 = vector.broadcast %mul3A_87 : i32 to vector<16xi32>
      %add3A_91 = arith.addi %add3A_90, %mul3A_38 : vector<16xi32>
      %add3A_92 = arith.constant 1 : i32
      %add3A_93 = vector.broadcast %add3A_92 : i32 to vector<16xi32>
      %add3A_94 = arith.addi %add3A_91, %add3A_93 : vector<16xi32>
      %gather3A_95 = tpu.vector_load_idx %arg6[%add3A_94] : memref<4096xf32, #tpu.memory_space<vmem>>[vector<16xi32>], vector<16xf32>,
      %add3A_96 = vector.broadcast %mul3A_87 : i32 to vector<16xi32>
      %add3A_97 = arith.addi %add3A_96, %mul3A_38 : vector<16xi32>
      %add3A_98 = arith.constant 2 : i32
      %add3A_99 = vector.broadcast %add3A_98 : i32 to vector<16xi32>
      %add3A_100 = arith.addi %add3A_97, %add3A_99 : vector<16xi32>
      %gather3A_101 = tpu.vector_load_idx %arg6[%add3A_100] : memref<4096xf32, #tpu.memory_space<vmem>>[vector<16xi32>], vector<16xf32>,
      %add3A_102 = vector.broadcast %mul3A_87 : i32 to vector<16xi32>
      %add3A_103 = arith.addi %add3A_102, %mul3A_38 : vector<16xi32>
      %add3A_104 = arith.constant 3 : i32
      %add3A_105 = vector.broadcast %add3A_104 : i32 to vector<16xi32>
      %add3A_106 = arith.addi %add3A_103, %add3A_105 : vector<16xi32>
      %gather3A_107 = tpu.vector_load_idx %arg6[%add3A_106] : memref<4096xf32, #tpu.memory_space<vmem>>[vector<16xi32>], vector<16xf32>,
      %add3A_108 = arith.constant 5.000000e-01 : f32
      %add3A_109 = vector.broadcast %add3A_108 : f32 to vector<16xf32>
      %add3A_110 = arith.addf %gather3A, %add3A_109 : vector<16xf32>
      %convert_element_type3A_111 = arith.fptosi %add3A_110 : vector<16xf32> to vector<16xi32>
      %convert_element_type3A_112 = arith.sitofp %convert_element_type3A_111 : vector<16xi32> to vector<16xf32>
      %gt3A = arith.cmpf ogt, %convert_element_type3A_112, %add3A_110 : vector<16xf32>
      %jit3A = arith.constant 1 : i32
      %jit3A_113 = arith.constant 0 : i32
      %broadcast_in_dim3A_114 = vector.broadcast %jit3A : i32 to vector<16xi32>
      %broadcast_in_dim3A_115 = vector.broadcast %jit3A_113 : i32 to vector<16xi32>
      %select_n3A = arith.select %gt3A, %broadcast_in_dim3A_114, %broadcast_in_dim3A_115 : vector<16xi1>, vector<16xi32>
      %sub3A = arith.subi %convert_element_type3A_111, %select_n3A : vector<16xi32>
      %convert_element_type3A_116 = arith.sitofp %sub3A : vector<16xi32> to vector<16xf32>
      %eq3A_117 = arith.cmpf oeq, %convert_element_type3A_116, %add3A_110 : vector<16xf32>
      %and3A = arith.constant 1 : i32
      %and3A_118 = vector.broadcast %and3A : i32 to vector<16xi32>
      %and3A_119 = arith.andi %sub3A, %and3A_118 : vector<16xi32>
      %eq3A_120 = arith.constant 1 : i32
      %eq3A_121 = vector.broadcast %eq3A_120 : i32 to vector<16xi32>
      %eq3A_122 = arith.cmpi eq, %and3A_119, %eq3A_121 : vector<16xi32>
      %and3A_123 = arith.andi %eq3A_117, %eq3A_122 : vector<16xi1>
      %jit3A_124 = arith.constant 1 : i32
      %jit3A_125 = arith.constant 0 : i32
      %broadcast_in_dim3A_126 = vector.broadcast %jit3A_124 : i32 to vector<16xi32>
      %broadcast_in_dim3A_127 = vector.broadcast %jit3A_125 : i32 to vector<16xi32>
      %select_n3A_128 = arith.select %and3A_123, %broadcast_in_dim3A_126, %broadcast_in_dim3A_127 : vector<16xi1>, vector<16xi32>
      %sub3A_129 = arith.subi %sub3A, %select_n3A_128 : vector<16xi32>
      %eq3A_130 = arith.constant 0 : i32
      %eq3A_131 = vector.broadcast %eq3A_130 : i32 to vector<16xi32>
      %eq3A_132 = arith.cmpi eq, %sub3A_129, %eq3A_131 : vector<16xi32>
      %jit3A_133 = arith.constant 1.000000e+00 : f32
      %jit3A_134 = arith.constant 0.000000e+00 : f32
      %broadcast_in_dim3A_135 = vector.broadcast %jit3A_133 : f32 to vector<16xf32>
      %broadcast_in_dim3A_136 = vector.broadcast %jit3A_134 : f32 to vector<16xf32>
      %select_n3A_137 = arith.select %eq3A_132, %broadcast_in_dim3A_135, %broadcast_in_dim3A_136 : vector<16xi1>, vector<16xf32>
      %eq3A_138 = arith.constant 1 : i32
      %eq3A_139 = vector.broadcast %eq3A_138 : i32 to vector<16xi32>
      %eq3A_140 = arith.cmpi eq, %sub3A_129, %eq3A_139 : vector<16xi32>
      %jit3A_141 = arith.constant 1.000000e+00 : f32
      %jit3A_142 = arith.constant 0.000000e+00 : f32
      %broadcast_in_dim3A_143 = vector.broadcast %jit3A_141 : f32 to vector<16xf32>
      %broadcast_in_dim3A_144 = vector.broadcast %jit3A_142 : f32 to vector<16xf32>
      %select_n3A_145 = arith.select %eq3A_140, %broadcast_in_dim3A_143, %broadcast_in_dim3A_144 : vector<16xi1>, vector<16xf32>
      %eq3A_146 = arith.constant 2 : i32
      %eq3A_147 = vector.broadcast %eq3A_146 : i32 to vector<16xi32>
      %eq3A_148 = arith.cmpi eq, %sub3A_129, %eq3A_147 : vector<16xi32>
      %jit3A_149 = arith.constant 0.333333343 : f32
      %jit3A_150 = arith.constant 0.000000e+00 : f32
      %broadcast_in_dim3A_151 = vector.broadcast %jit3A_149 : f32 to vector<16xf32>
      %broadcast_in_dim3A_152 = vector.broadcast %jit3A_150 : f32 to vector<16xf32>
      %select_n3A_153 = arith.select %eq3A_148, %broadcast_in_dim3A_151, %broadcast_in_dim3A_152 : vector<16xi1>, vector<16xf32>
      %eq3A_154 = arith.constant 3 : i32
      %eq3A_155 = vector.broadcast %eq3A_154 : i32 to vector<16xi32>
      %eq3A_156 = arith.cmpi eq, %sub3A_129, %eq3A_155 : vector<16xi32>
      %jit3A_157 = arith.constant 0.333333343 : f32
      %jit3A_158 = arith.constant 0.000000e+00 : f32
      %broadcast_in_dim3A_159 = vector.broadcast %jit3A_157 : f32 to vector<16xf32>
      %broadcast_in_dim3A_160 = vector.broadcast %jit3A_158 : f32 to vector<16xf32>
      %select_n3A_161 = arith.select %eq3A_156, %broadcast_in_dim3A_159, %broadcast_in_dim3A_160 : vector<16xi1>, vector<16xf32>
      %add3A_162 = vector.broadcast %mul3A_85 : i32 to vector<16xi32>
      %add3A_163 = arith.addi %add3A_162, %mul3A_35 : vector<16xi32>
      %gather3A_164 = tpu.vector_load_idx %arg5[%add3A_163] : memref<8192xf32, #tpu.memory_space<vmem>>[vector<16xi32>], vector<16xf32>,
      %add3A_165 = vector.broadcast %mul3A_85 : i32 to vector<16xi32>
      %add3A_166 = arith.addi %add3A_165, %mul3A_35 : vector<16xi32>
      %add3A_167 = arith.constant 1 : i32
      %add3A_168 = vector.broadcast %add3A_167 : i32 to vector<16xi32>
      %add3A_169 = arith.addi %add3A_166, %add3A_168 : vector<16xi32>
      %gather3A_170 = tpu.vector_load_idx %arg5[%add3A_169] : memref<8192xf32, #tpu.memory_space<vmem>>[vector<16xi32>], vector<16xf32>,
      %add3A_171 = vector.broadcast %mul3A_85 : i32 to vector<16xi32>
      %add3A_172 = arith.addi %add3A_171, %mul3A_35 : vector<16xi32>
      %add3A_173 = arith.constant 2 : i32
      %add3A_174 = vector.broadcast %add3A_173 : i32 to vector<16xi32>
      %add3A_175 = arith.addi %add3A_172, %add3A_174 : vector<16xi32>
      %gather3A_176 = tpu.vector_load_idx %arg5[%add3A_175] : memref<8192xf32, #tpu.memory_space<vmem>>[vector<16xi32>], vector<16xf32>,
      %add3A_177 = vector.broadcast %mul3A_85 : i32 to vector<16xi32>
      %add3A_178 = arith.addi %add3A_177, %mul3A_35 : vector<16xi32>
      %add3A_179 = arith.constant 3 : i32
      %add3A_180 = vector.broadcast %add3A_179 : i32 to vector<16xi32>
      %add3A_181 = arith.addi %add3A_178, %add3A_180 : vector<16xi32>
      %gather3A_182 = tpu.vector_load_idx %arg5[%add3A_181] : memref<8192xf32, #tpu.memory_space<vmem>>[vector<16xi32>], vector<16xf32>,
      %add3A_183 = vector.broadcast %mul3A_85 : i32 to vector<16xi32>
      %add3A_184 = arith.addi %add3A_183, %mul3A_35 : vector<16xi32>
      %add3A_185 = arith.constant 4 : i32
      %add3A_186 = vector.broadcast %add3A_185 : i32 to vector<16xi32>
      %add3A_187 = arith.addi %add3A_184, %add3A_186 : vector<16xi32>
      %gather3A_188 = tpu.vector_load_idx %arg5[%add3A_187] : memref<8192xf32, #tpu.memory_space<vmem>>[vector<16xi32>], vector<16xf32>,
      %add3A_189 = vector.broadcast %mul3A_85 : i32 to vector<16xi32>
      %add3A_190 = arith.addi %add3A_189, %mul3A_35 : vector<16xi32>
      %add3A_191 = arith.constant 5 : i32
      %add3A_192 = vector.broadcast %add3A_191 : i32 to vector<16xi32>
      %add3A_193 = arith.addi %add3A_190, %add3A_192 : vector<16xi32>
      %gather3A_194 = tpu.vector_load_idx %arg5[%add3A_193] : memref<8192xf32, #tpu.memory_space<vmem>>[vector<16xi32>], vector<16xf32>,
      %add3A_195 = vector.broadcast %mul3A_85 : i32 to vector<16xi32>
      %add3A_196 = arith.addi %add3A_195, %mul3A_35 : vector<16xi32>
      %add3A_197 = arith.constant 6 : i32
      %add3A_198 = vector.broadcast %add3A_197 : i32 to vector<16xi32>
      %add3A_199 = arith.addi %add3A_196, %add3A_198 : vector<16xi32>
      %gather3A_200 = tpu.vector_load_idx %arg5[%add3A_199] : memref<8192xf32, #tpu.memory_space<vmem>>[vector<16xi32>], vector<16xf32>,
      %add3A_201 = vector.broadcast %mul3A_85 : i32 to vector<16xi32>
      %add3A_202 = arith.addi %add3A_201, %mul3A_35 : vector<16xi32>
      %add3A_203 = arith.constant 7 : i32
      %add3A_204 = vector.broadcast %add3A_203 : i32 to vector<16xi32>
      %add3A_205 = arith.addi %add3A_202, %add3A_204 : vector<16xi32>
      %gather3A_206 = tpu.vector_load_idx %arg5[%add3A_205] : memref<8192xf32, #tpu.memory_space<vmem>>[vector<16xi32>], vector<16xf32>,
      %sub3A_207 = arith.subf %gather3A_164, %gather3A_95 : vector<16xf32>
      %sub3A_208 = arith.subf %gather3A_170, %gather3A_95 : vector<16xf32>
      %sub3A_209 = arith.subf %gather3A_176, %gather3A_95 : vector<16xf32>
      %sub3A_210 = arith.subf %gather3A_182, %gather3A_101 : vector<16xf32>
      %sub3A_211 = arith.subf %gather3A_188, %gather3A_107 : vector<16xf32>
      %sub3A_212 = arith.subf %gather3A_194, %gather3A_95 : vector<16xf32>
      %sub3A_213 = arith.subf %gather3A_200, %gather3A_101 : vector<16xf32>
      %sub3A_214 = arith.subf %gather3A_206, %gather3A_107 : vector<16xf32>
      %mul3A_215 = arith.mulf %sub3A_207, %sub3A_207 : vector<16xf32>
      %mul3A_216 = arith.mulf %select_n3A_137, %mul3A_215 : vector<16xf32>
      %mul3A_217 = arith.mulf %sub3A_208, %sub3A_208 : vector<16xf32>
      %mul3A_218 = arith.mulf %select_n3A_145, %mul3A_217 : vector<16xf32>
      %add3A_219 = arith.addf %mul3A_216, %mul3A_218 : vector<16xf32>
      %mul3A_220 = arith.mulf %sub3A_209, %sub3A_209 : vector<16xf32>
      %mul3A_221 = arith.mulf %sub3A_210, %sub3A_210 : vector<16xf32>
      %add3A_222 = arith.addf %mul3A_220, %mul3A_221 : vector<16xf32>
      %mul3A_223 = arith.mulf %sub3A_211, %sub3A_211 : vector<16xf32>
      %add3A_224 = arith.addf %add3A_222, %mul3A_223 : vector<16xf32>
      %mul3A_225 = arith.mulf %select_n3A_153, %add3A_224 : vector<16xf32>
      %add3A_226 = arith.addf %add3A_219, %mul3A_225 : vector<16xf32>
      %mul3A_227 = arith.mulf %sub3A_212, %sub3A_212 : vector<16xf32>
      %mul3A_228 = arith.mulf %sub3A_213, %sub3A_213 : vector<16xf32>
      %add3A_229 = arith.addf %mul3A_227, %mul3A_228 : vector<16xf32>
      %mul3A_230 = arith.mulf %sub3A_214, %sub3A_214 : vector<16xf32>
      %add3A_231 = arith.addf %add3A_229, %mul3A_230 : vector<16xf32>
      %mul3A_232 = arith.mulf %select_n3A_161, %add3A_231 : vector<16xf32>
      %add3A_233 = arith.addf %add3A_226, %mul3A_232 : vector<16xf32>
      %add3A_234 = arith.addf %scan3A_83, %add3A_233 : vector<16xf32>
      %scan3A_235 = arith.constant 1 : i32
      %scan3A_236 = arith.addi %scan3A_82, %scan3A_235 : i32
      %mul3A_237 = arith.constant 128 : i32
      %mul3A_238 = arith.muli %scan3A_236, %mul3A_237 : i32
      %mul3A_239 = arith.constant 64 : i32
      %mul3A_240 = arith.muli %scan3A_236, %mul3A_239 : i32
      %add3A_241 = vector.broadcast %mul3A_240 : i32 to vector<16xi32>
      %add3A_242 = arith.addi %add3A_241, %mul3A_38 : vector<16xi32>
      %gather3A_243 = tpu.vector_load_idx %arg6[%add3A_242] : memref<4096xf32, #tpu.memory_space<vmem>>[vector<16xi32>], vector<16xf32>,
      %add3A_244 = vector.broadcast %mul3A_240 : i32 to vector<16xi32>
      %add3A_245 = arith.addi %add3A_244, %mul3A_38 : vector<16xi32>
      %add3A_246 = arith.constant 1 : i32
      %add3A_247 = vector.broadcast %add3A_246 : i32 to vector<16xi32>
      %add3A_248 = arith.addi %add3A_245, %add3A_247 : vector<16xi32>
      %gather3A_249 = tpu.vector_load_idx %arg6[%add3A_248] : memref<4096xf32, #tpu.memory_space<vmem>>[vector<16xi32>], vector<16xf32>,
      %add3A_250 = vector.broadcast %mul3A_240 : i32 to vector<16xi32>
      %add3A_251 = arith.addi %add3A_250, %mul3A_38 : vector<16xi32>
      %add3A_252 = arith.constant 2 : i32
      %add3A_253 = vector.broadcast %add3A_252 : i32 to vector<16xi32>
      %add3A_254 = arith.addi %add3A_251, %add3A_253 : vector<16xi32>
      %gather3A_255 = tpu.vector_load_idx %arg6[%add3A_254] : memref<4096xf32, #tpu.memory_space<vmem>>[vector<16xi32>], vector<16xf32>,
      %add3A_256 = vector.broadcast %mul3A_240 : i32 to vector<16xi32>
      %add3A_257 = arith.addi %add3A_256, %mul3A_38 : vector<16xi32>
      %add3A_258 = arith.constant 3 : i32
      %add3A_259 = vector.broadcast %add3A_258 : i32 to vector<16xi32>
      %add3A_260 = arith.addi %add3A_257, %add3A_259 : vector<16xi32>
      %gather3A_261 = tpu.vector_load_idx %arg6[%add3A_260] : memref<4096xf32, #tpu.memory_space<vmem>>[vector<16xi32>], vector<16xf32>,
      %add3A_262 = arith.constant 5.000000e-01 : f32
      %add3A_263 = vector.broadcast %add3A_262 : f32 to vector<16xf32>
      %add3A_264 = arith.addf %gather3A_243, %add3A_263 : vector<16xf32>
      %convert_element_type3A_265 = arith.fptosi %add3A_264 : vector<16xf32> to vector<16xi32>
      %convert_element_type3A_266 = arith.sitofp %convert_element_type3A_265 : vector<16xi32> to vector<16xf32>
      %gt3A_267 = arith.cmpf ogt, %convert_element_type3A_266, %add3A_264 : vector<16xf32>
      %jit3A_268 = arith.constant 1 : i32
      %jit3A_269 = arith.constant 0 : i32
      %broadcast_in_dim3A_270 = vector.broadcast %jit3A_268 : i32 to vector<16xi32>
      %broadcast_in_dim3A_271 = vector.broadcast %jit3A_269 : i32 to vector<16xi32>
      %select_n3A_272 = arith.select %gt3A_267, %broadcast_in_dim3A_270, %broadcast_in_dim3A_271 : vector<16xi1>, vector<16xi32>
      %sub3A_273 = arith.subi %convert_element_type3A_265, %select_n3A_272 : vector<16xi32>
      %convert_element_type3A_274 = arith.sitofp %sub3A_273 : vector<16xi32> to vector<16xf32>
      %eq3A_275 = arith.cmpf oeq, %convert_element_type3A_274, %add3A_264 : vector<16xf32>
      %and3A_276 = arith.constant 1 : i32
      %and3A_277 = vector.broadcast %and3A_276 : i32 to vector<16xi32>
      %and3A_278 = arith.andi %sub3A_273, %and3A_277 : vector<16xi32>
      %eq3A_279 = arith.constant 1 : i32
      %eq3A_280 = vector.broadcast %eq3A_279 : i32 to vector<16xi32>
      %eq3A_281 = arith.cmpi eq, %and3A_278, %eq3A_280 : vector<16xi32>
      %and3A_282 = arith.andi %eq3A_275, %eq3A_281 : vector<16xi1>
      %jit3A_283 = arith.constant 1 : i32
      %jit3A_284 = arith.constant 0 : i32
      %broadcast_in_dim3A_285 = vector.broadcast %jit3A_283 : i32 to vector<16xi32>
      %broadcast_in_dim3A_286 = vector.broadcast %jit3A_284 : i32 to vector<16xi32>
      %select_n3A_287 = arith.select %and3A_282, %broadcast_in_dim3A_285, %broadcast_in_dim3A_286 : vector<16xi1>, vector<16xi32>
      %sub3A_288 = arith.subi %sub3A_273, %select_n3A_287 : vector<16xi32>
      %eq3A_289 = arith.constant 0 : i32
      %eq3A_290 = vector.broadcast %eq3A_289 : i32 to vector<16xi32>
      %eq3A_291 = arith.cmpi eq, %sub3A_288, %eq3A_290 : vector<16xi32>
      %jit3A_292 = arith.constant 1.000000e+00 : f32
      %jit3A_293 = arith.constant 0.000000e+00 : f32
      %broadcast_in_dim3A_294 = vector.broadcast %jit3A_292 : f32 to vector<16xf32>
      %broadcast_in_dim3A_295 = vector.broadcast %jit3A_293 : f32 to vector<16xf32>
      %select_n3A_296 = arith.select %eq3A_291, %broadcast_in_dim3A_294, %broadcast_in_dim3A_295 : vector<16xi1>, vector<16xf32>
      %eq3A_297 = arith.constant 1 : i32
      %eq3A_298 = vector.broadcast %eq3A_297 : i32 to vector<16xi32>
      %eq3A_299 = arith.cmpi eq, %sub3A_288, %eq3A_298 : vector<16xi32>
      %jit3A_300 = arith.constant 1.000000e+00 : f32
      %jit3A_301 = arith.constant 0.000000e+00 : f32
      %broadcast_in_dim3A_302 = vector.broadcast %jit3A_300 : f32 to vector<16xf32>
      %broadcast_in_dim3A_303 = vector.broadcast %jit3A_301 : f32 to vector<16xf32>
      %select_n3A_304 = arith.select %eq3A_299, %broadcast_in_dim3A_302, %broadcast_in_dim3A_303 : vector<16xi1>, vector<16xf32>
      %eq3A_305 = arith.constant 2 : i32
      %eq3A_306 = vector.broadcast %eq3A_305 : i32 to vector<16xi32>
      %eq3A_307 = arith.cmpi eq, %sub3A_288, %eq3A_306 : vector<16xi32>
      %jit3A_308 = arith.constant 0.333333343 : f32
      %jit3A_309 = arith.constant 0.000000e+00 : f32
      %broadcast_in_dim3A_310 = vector.broadcast %jit3A_308 : f32 to vector<16xf32>
      %broadcast_in_dim3A_311 = vector.broadcast %jit3A_309 : f32 to vector<16xf32>
      %select_n3A_312 = arith.select %eq3A_307, %broadcast_in_dim3A_310, %broadcast_in_dim3A_311 : vector<16xi1>, vector<16xf32>
      %eq3A_313 = arith.constant 3 : i32
      %eq3A_314 = vector.broadcast %eq3A_313 : i32 to vector<16xi32>
      %eq3A_315 = arith.cmpi eq, %sub3A_288, %eq3A_314 : vector<16xi32>
      %jit3A_316 = arith.constant 0.333333343 : f32
      %jit3A_317 = arith.constant 0.000000e+00 : f32
      %broadcast_in_dim3A_318 = vector.broadcast %jit3A_316 : f32 to vector<16xf32>
      %broadcast_in_dim3A_319 = vector.broadcast %jit3A_317 : f32 to vector<16xf32>
      %select_n3A_320 = arith.select %eq3A_315, %broadcast_in_dim3A_318, %broadcast_in_dim3A_319 : vector<16xi1>, vector<16xf32>
      %add3A_321 = vector.broadcast %mul3A_238 : i32 to vector<16xi32>
      %add3A_322 = arith.addi %add3A_321, %mul3A_35 : vector<16xi32>
      %gather3A_323 = tpu.vector_load_idx %arg5[%add3A_322] : memref<8192xf32, #tpu.memory_space<vmem>>[vector<16xi32>], vector<16xf32>,
      %add3A_324 = vector.broadcast %mul3A_238 : i32 to vector<16xi32>
      %add3A_325 = arith.addi %add3A_324, %mul3A_35 : vector<16xi32>
      %add3A_326 = arith.constant 1 : i32
      %add3A_327 = vector.broadcast %add3A_326 : i32 to vector<16xi32>
      %add3A_328 = arith.addi %add3A_325, %add3A_327 : vector<16xi32>
      %gather3A_329 = tpu.vector_load_idx %arg5[%add3A_328] : memref<8192xf32, #tpu.memory_space<vmem>>[vector<16xi32>], vector<16xf32>,
      %add3A_330 = vector.broadcast %mul3A_238 : i32 to vector<16xi32>
      %add3A_331 = arith.addi %add3A_330, %mul3A_35 : vector<16xi32>
      %add3A_332 = arith.constant 2 : i32
      %add3A_333 = vector.broadcast %add3A_332 : i32 to vector<16xi32>
      %add3A_334 = arith.addi %add3A_331, %add3A_333 : vector<16xi32>
      %gather3A_335 = tpu.vector_load_idx %arg5[%add3A_334] : memref<8192xf32, #tpu.memory_space<vmem>>[vector<16xi32>], vector<16xf32>,
      %add3A_336 = vector.broadcast %mul3A_238 : i32 to vector<16xi32>
      %add3A_337 = arith.addi %add3A_336, %mul3A_35 : vector<16xi32>
      %add3A_338 = arith.constant 3 : i32
      %add3A_339 = vector.broadcast %add3A_338 : i32 to vector<16xi32>
      %add3A_340 = arith.addi %add3A_337, %add3A_339 : vector<16xi32>
      %gather3A_341 = tpu.vector_load_idx %arg5[%add3A_340] : memref<8192xf32, #tpu.memory_space<vmem>>[vector<16xi32>], vector<16xf32>,
      %add3A_342 = vector.broadcast %mul3A_238 : i32 to vector<16xi32>
      %add3A_343 = arith.addi %add3A_342, %mul3A_35 : vector<16xi32>
      %add3A_344 = arith.constant 4 : i32
      %add3A_345 = vector.broadcast %add3A_344 : i32 to vector<16xi32>
      %add3A_346 = arith.addi %add3A_343, %add3A_345 : vector<16xi32>
      %gather3A_347 = tpu.vector_load_idx %arg5[%add3A_346] : memref<8192xf32, #tpu.memory_space<vmem>>[vector<16xi32>], vector<16xf32>,
      %add3A_348 = vector.broadcast %mul3A_238 : i32 to vector<16xi32>
      %add3A_349 = arith.addi %add3A_348, %mul3A_35 : vector<16xi32>
      %add3A_350 = arith.constant 5 : i32
      %add3A_351 = vector.broadcast %add3A_350 : i32 to vector<16xi32>
      %add3A_352 = arith.addi %add3A_349, %add3A_351 : vector<16xi32>
      %gather3A_353 = tpu.vector_load_idx %arg5[%add3A_352] : memref<8192xf32, #tpu.memory_space<vmem>>[vector<16xi32>], vector<16xf32>,
      %add3A_354 = vector.broadcast %mul3A_238 : i32 to vector<16xi32>
      %add3A_355 = arith.addi %add3A_354, %mul3A_35 : vector<16xi32>
      %add3A_356 = arith.constant 6 : i32
      %add3A_357 = vector.broadcast %add3A_356 : i32 to vector<16xi32>
      %add3A_358 = arith.addi %add3A_355, %add3A_357 : vector<16xi32>
      %gather3A_359 = tpu.vector_load_idx %arg5[%add3A_358] : memref<8192xf32, #tpu.memory_space<vmem>>[vector<16xi32>], vector<16xf32>,
      %add3A_360 = vector.broadcast %mul3A_238 : i32 to vector<16xi32>
      %add3A_361 = arith.addi %add3A_360, %mul3A_35 : vector<16xi32>
      %add3A_362 = arith.constant 7 : i32
      %add3A_363 = vector.broadcast %add3A_362 : i32 to vector<16xi32>
      %add3A_364 = arith.addi %add3A_361, %add3A_363 : vector<16xi32>
      %gather3A_365 = tpu.vector_load_idx %arg5[%add3A_364] : memref<8192xf32, #tpu.memory_space<vmem>>[vector<16xi32>], vector<16xf32>,
      %sub3A_366 = arith.subf %gather3A_323, %gather3A_249 : vector<16xf32>
      %sub3A_367 = arith.subf %gather3A_329, %gather3A_249 : vector<16xf32>
      %sub3A_368 = arith.subf %gather3A_335, %gather3A_249 : vector<16xf32>
      %sub3A_369 = arith.subf %gather3A_341, %gather3A_255 : vector<16xf32>
      %sub3A_370 = arith.subf %gather3A_347, %gather3A_261 : vector<16xf32>
      %sub3A_371 = arith.subf %gather3A_353, %gather3A_249 : vector<16xf32>
      %sub3A_372 = arith.subf %gather3A_359, %gather3A_255 : vector<16xf32>
      %sub3A_373 = arith.subf %gather3A_365, %gather3A_261 : vector<16xf32>
      %mul3A_374 = arith.mulf %sub3A_366, %sub3A_366 : vector<16xf32>
      %mul3A_375 = arith.mulf %select_n3A_296, %mul3A_374 : vector<16xf32>
      %mul3A_376 = arith.mulf %sub3A_367, %sub3A_367 : vector<16xf32>
      %mul3A_377 = arith.mulf %select_n3A_304, %mul3A_376 : vector<16xf32>
      %add3A_378 = arith.addf %mul3A_375, %mul3A_377 : vector<16xf32>
      %mul3A_379 = arith.mulf %sub3A_368, %sub3A_368 : vector<16xf32>
      %mul3A_380 = arith.mulf %sub3A_369, %sub3A_369 : vector<16xf32>
      %add3A_381 = arith.addf %mul3A_379, %mul3A_380 : vector<16xf32>
      %mul3A_382 = arith.mulf %sub3A_370, %sub3A_370 : vector<16xf32>
      %add3A_383 = arith.addf %add3A_381, %mul3A_382 : vector<16xf32>
      %mul3A_384 = arith.mulf %select_n3A_312, %add3A_383 : vector<16xf32>
      %add3A_385 = arith.addf %add3A_378, %mul3A_384 : vector<16xf32>
      %mul3A_386 = arith.mulf %sub3A_371, %sub3A_371 : vector<16xf32>
      %mul3A_387 = arith.mulf %sub3A_372, %sub3A_372 : vector<16xf32>
      %add3A_388 = arith.addf %mul3A_386, %mul3A_387 : vector<16xf32>
      %mul3A_389 = arith.mulf %sub3A_373, %sub3A_373 : vector<16xf32>
      %add3A_390 = arith.addf %add3A_388, %mul3A_389 : vector<16xf32>
      %mul3A_391 = arith.mulf %select_n3A_320, %add3A_390 : vector<16xf32>
      %add3A_392 = arith.addf %add3A_385, %mul3A_391 : vector<16xf32>
      %add3A_393 = arith.addf %add3A_234, %add3A_392 : vector<16xf32>
      scf.yield %add3A_393 : vector<16xf32>
    }
    %scan3A_55 = arith.constant 32 : i32
    %dma_wait3A_56 = arith.constant 4096 : i32
    %dma_wait3A_57 = tpu.memref_slice %arg5[%dma_wait3A_56] : memref<8192xf32, #tpu.memory_space<vmem>> -> memref<4096xf32, #tpu.memory_space<vmem>>
    %dma_wait3A_58 = tpu.memref_slice %arg2[%add3A_16] : memref<131072xf32, #tpu.memory_space<hbm>> -> memref<4096xf32, #tpu.memory_space<hbm>>
    %dma_wait3A_59 = arith.constant 4096 : i32
    %dma_wait3A_60 = tpu.memref_slice %arg5[%dma_wait3A_59] : memref<8192xf32, #tpu.memory_space<vmem>> -> memref<4096xf32, #tpu.memory_space<vmem>>
    %dma_wait3A_61 = tpu.memref_slice %arg2[%add3A_16] : memref<131072xf32, #tpu.memory_space<hbm>> -> memref<4096xf32, #tpu.memory_space<hbm>>
    tpu.wait_dma2 semaphore(%arg12 : memref<!tpu.dma_semaphore, #tpu.memory_space<semaphore_mem>>) src(%dma_wait3A_61 : memref<4096xf32, #tpu.memory_space<hbm>>) dst(%dma_wait3A_60 : memref<4096xf32, #tpu.memory_space<vmem>>)
    %dma_wait3A_62 = arith.constant 2048 : i32
    %dma_wait3A_63 = tpu.memref_slice %arg6[%dma_wait3A_62] : memref<4096xf32, #tpu.memory_space<vmem>> -> memref<2048xf32, #tpu.memory_space<vmem>>
    %dma_wait3A_64 = tpu.memref_slice %arg3[%add3A_26] : memref<65536xf32, #tpu.memory_space<hbm>> -> memref<2048xf32, #tpu.memory_space<hbm>>
    %dma_wait3A_65 = arith.constant 2048 : i32
    %dma_wait3A_66 = tpu.memref_slice %arg6[%dma_wait3A_65] : memref<4096xf32, #tpu.memory_space<vmem>> -> memref<2048xf32, #tpu.memory_space<vmem>>
    %dma_wait3A_67 = tpu.memref_slice %arg3[%add3A_26] : memref<65536xf32, #tpu.memory_space<hbm>> -> memref<2048xf32, #tpu.memory_space<hbm>>
    tpu.wait_dma2 semaphore(%arg12 : memref<!tpu.dma_semaphore, #tpu.memory_space<semaphore_mem>>) src(%dma_wait3A_67 : memref<2048xf32, #tpu.memory_space<hbm>>) dst(%dma_wait3A_66 : memref<2048xf32, #tpu.memory_space<vmem>>)
    %scan3A_68 = arith.constant 32 : i32
    %scan3A_69 = arith.constant 32 : i32
    %scan3A_70 = arith.addi %scan3A_68, %scan3A_69 : i32
    %scan3A_71 = arith.constant 2 : i32
    %scan3A_72 = scf.for %scan3A_82 = %scan3A_68 to %scan3A_70 step %scan3A_71 iter_args(%scan3A_83 = %scan3A_54) -> (vector<16xf32>)  : i32 {
      %mul3A_84 = arith.constant 128 : i32
      %mul3A_85 = arith.muli %scan3A_82, %mul3A_84 : i32
      %mul3A_86 = arith.constant 64 : i32
      %mul3A_87 = arith.muli %scan3A_82, %mul3A_86 : i32
      %add3A_88 = vector.broadcast %mul3A_87 : i32 to vector<16xi32>
      %add3A_89 = arith.addi %add3A_88, %mul3A_38 : vector<16xi32>
      %gather3A = tpu.vector_load_idx %arg6[%add3A_89] : memref<4096xf32, #tpu.memory_space<vmem>>[vector<16xi32>], vector<16xf32>,
      %add3A_90 = vector.broadcast %mul3A_87 : i32 to vector<16xi32>
      %add3A_91 = arith.addi %add3A_90, %mul3A_38 : vector<16xi32>
      %add3A_92 = arith.constant 1 : i32
      %add3A_93 = vector.broadcast %add3A_92 : i32 to vector<16xi32>
      %add3A_94 = arith.addi %add3A_91, %add3A_93 : vector<16xi32>
      %gather3A_95 = tpu.vector_load_idx %arg6[%add3A_94] : memref<4096xf32, #tpu.memory_space<vmem>>[vector<16xi32>], vector<16xf32>,
      %add3A_96 = vector.broadcast %mul3A_87 : i32 to vector<16xi32>
      %add3A_97 = arith.addi %add3A_96, %mul3A_38 : vector<16xi32>
      %add3A_98 = arith.constant 2 : i32
      %add3A_99 = vector.broadcast %add3A_98 : i32 to vector<16xi32>
      %add3A_100 = arith.addi %add3A_97, %add3A_99 : vector<16xi32>
      %gather3A_101 = tpu.vector_load_idx %arg6[%add3A_100] : memref<4096xf32, #tpu.memory_space<vmem>>[vector<16xi32>], vector<16xf32>,
      %add3A_102 = vector.broadcast %mul3A_87 : i32 to vector<16xi32>
      %add3A_103 = arith.addi %add3A_102, %mul3A_38 : vector<16xi32>
      %add3A_104 = arith.constant 3 : i32
      %add3A_105 = vector.broadcast %add3A_104 : i32 to vector<16xi32>
      %add3A_106 = arith.addi %add3A_103, %add3A_105 : vector<16xi32>
      %gather3A_107 = tpu.vector_load_idx %arg6[%add3A_106] : memref<4096xf32, #tpu.memory_space<vmem>>[vector<16xi32>], vector<16xf32>,
      %add3A_108 = arith.constant 5.000000e-01 : f32
      %add3A_109 = vector.broadcast %add3A_108 : f32 to vector<16xf32>
      %add3A_110 = arith.addf %gather3A, %add3A_109 : vector<16xf32>
      %convert_element_type3A_111 = arith.fptosi %add3A_110 : vector<16xf32> to vector<16xi32>
      %convert_element_type3A_112 = arith.sitofp %convert_element_type3A_111 : vector<16xi32> to vector<16xf32>
      %gt3A = arith.cmpf ogt, %convert_element_type3A_112, %add3A_110 : vector<16xf32>
      %jit3A = arith.constant 1 : i32
      %jit3A_113 = arith.constant 0 : i32
      %broadcast_in_dim3A_114 = vector.broadcast %jit3A : i32 to vector<16xi32>
      %broadcast_in_dim3A_115 = vector.broadcast %jit3A_113 : i32 to vector<16xi32>
      %select_n3A = arith.select %gt3A, %broadcast_in_dim3A_114, %broadcast_in_dim3A_115 : vector<16xi1>, vector<16xi32>
      %sub3A = arith.subi %convert_element_type3A_111, %select_n3A : vector<16xi32>
      %convert_element_type3A_116 = arith.sitofp %sub3A : vector<16xi32> to vector<16xf32>
      %eq3A_117 = arith.cmpf oeq, %convert_element_type3A_116, %add3A_110 : vector<16xf32>
      %and3A = arith.constant 1 : i32
      %and3A_118 = vector.broadcast %and3A : i32 to vector<16xi32>
      %and3A_119 = arith.andi %sub3A, %and3A_118 : vector<16xi32>
      %eq3A_120 = arith.constant 1 : i32
      %eq3A_121 = vector.broadcast %eq3A_120 : i32 to vector<16xi32>
      %eq3A_122 = arith.cmpi eq, %and3A_119, %eq3A_121 : vector<16xi32>
      %and3A_123 = arith.andi %eq3A_117, %eq3A_122 : vector<16xi1>
      %jit3A_124 = arith.constant 1 : i32
      %jit3A_125 = arith.constant 0 : i32
      %broadcast_in_dim3A_126 = vector.broadcast %jit3A_124 : i32 to vector<16xi32>
      %broadcast_in_dim3A_127 = vector.broadcast %jit3A_125 : i32 to vector<16xi32>
      %select_n3A_128 = arith.select %and3A_123, %broadcast_in_dim3A_126, %broadcast_in_dim3A_127 : vector<16xi1>, vector<16xi32>
      %sub3A_129 = arith.subi %sub3A, %select_n3A_128 : vector<16xi32>
      %eq3A_130 = arith.constant 0 : i32
      %eq3A_131 = vector.broadcast %eq3A_130 : i32 to vector<16xi32>
      %eq3A_132 = arith.cmpi eq, %sub3A_129, %eq3A_131 : vector<16xi32>
      %jit3A_133 = arith.constant 1.000000e+00 : f32
      %jit3A_134 = arith.constant 0.000000e+00 : f32
      %broadcast_in_dim3A_135 = vector.broadcast %jit3A_133 : f32 to vector<16xf32>
      %broadcast_in_dim3A_136 = vector.broadcast %jit3A_134 : f32 to vector<16xf32>
      %select_n3A_137 = arith.select %eq3A_132, %broadcast_in_dim3A_135, %broadcast_in_dim3A_136 : vector<16xi1>, vector<16xf32>
      %eq3A_138 = arith.constant 1 : i32
      %eq3A_139 = vector.broadcast %eq3A_138 : i32 to vector<16xi32>
      %eq3A_140 = arith.cmpi eq, %sub3A_129, %eq3A_139 : vector<16xi32>
      %jit3A_141 = arith.constant 1.000000e+00 : f32
      %jit3A_142 = arith.constant 0.000000e+00 : f32
      %broadcast_in_dim3A_143 = vector.broadcast %jit3A_141 : f32 to vector<16xf32>
      %broadcast_in_dim3A_144 = vector.broadcast %jit3A_142 : f32 to vector<16xf32>
      %select_n3A_145 = arith.select %eq3A_140, %broadcast_in_dim3A_143, %broadcast_in_dim3A_144 : vector<16xi1>, vector<16xf32>
      %eq3A_146 = arith.constant 2 : i32
      %eq3A_147 = vector.broadcast %eq3A_146 : i32 to vector<16xi32>
      %eq3A_148 = arith.cmpi eq, %sub3A_129, %eq3A_147 : vector<16xi32>
      %jit3A_149 = arith.constant 0.333333343 : f32
      %jit3A_150 = arith.constant 0.000000e+00 : f32
      %broadcast_in_dim3A_151 = vector.broadcast %jit3A_149 : f32 to vector<16xf32>
      %broadcast_in_dim3A_152 = vector.broadcast %jit3A_150 : f32 to vector<16xf32>
      %select_n3A_153 = arith.select %eq3A_148, %broadcast_in_dim3A_151, %broadcast_in_dim3A_152 : vector<16xi1>, vector<16xf32>
      %eq3A_154 = arith.constant 3 : i32
      %eq3A_155 = vector.broadcast %eq3A_154 : i32 to vector<16xi32>
      %eq3A_156 = arith.cmpi eq, %sub3A_129, %eq3A_155 : vector<16xi32>
      %jit3A_157 = arith.constant 0.333333343 : f32
      %jit3A_158 = arith.constant 0.000000e+00 : f32
      %broadcast_in_dim3A_159 = vector.broadcast %jit3A_157 : f32 to vector<16xf32>
      %broadcast_in_dim3A_160 = vector.broadcast %jit3A_158 : f32 to vector<16xf32>
      %select_n3A_161 = arith.select %eq3A_156, %broadcast_in_dim3A_159, %broadcast_in_dim3A_160 : vector<16xi1>, vector<16xf32>
      %add3A_162 = vector.broadcast %mul3A_85 : i32 to vector<16xi32>
      %add3A_163 = arith.addi %add3A_162, %mul3A_35 : vector<16xi32>
      %gather3A_164 = tpu.vector_load_idx %arg5[%add3A_163] : memref<8192xf32, #tpu.memory_space<vmem>>[vector<16xi32>], vector<16xf32>,
      %add3A_165 = vector.broadcast %mul3A_85 : i32 to vector<16xi32>
      %add3A_166 = arith.addi %add3A_165, %mul3A_35 : vector<16xi32>
      %add3A_167 = arith.constant 1 : i32
      %add3A_168 = vector.broadcast %add3A_167 : i32 to vector<16xi32>
      %add3A_169 = arith.addi %add3A_166, %add3A_168 : vector<16xi32>
      %gather3A_170 = tpu.vector_load_idx %arg5[%add3A_169] : memref<8192xf32, #tpu.memory_space<vmem>>[vector<16xi32>], vector<16xf32>,
      %add3A_171 = vector.broadcast %mul3A_85 : i32 to vector<16xi32>
      %add3A_172 = arith.addi %add3A_171, %mul3A_35 : vector<16xi32>
      %add3A_173 = arith.constant 2 : i32
      %add3A_174 = vector.broadcast %add3A_173 : i32 to vector<16xi32>
      %add3A_175 = arith.addi %add3A_172, %add3A_174 : vector<16xi32>
      %gather3A_176 = tpu.vector_load_idx %arg5[%add3A_175] : memref<8192xf32, #tpu.memory_space<vmem>>[vector<16xi32>], vector<16xf32>,
      %add3A_177 = vector.broadcast %mul3A_85 : i32 to vector<16xi32>
      %add3A_178 = arith.addi %add3A_177, %mul3A_35 : vector<16xi32>
      %add3A_179 = arith.constant 3 : i32
      %add3A_180 = vector.broadcast %add3A_179 : i32 to vector<16xi32>
      %add3A_181 = arith.addi %add3A_178, %add3A_180 : vector<16xi32>
      %gather3A_182 = tpu.vector_load_idx %arg5[%add3A_181] : memref<8192xf32, #tpu.memory_space<vmem>>[vector<16xi32>], vector<16xf32>,
      %add3A_183 = vector.broadcast %mul3A_85 : i32 to vector<16xi32>
      %add3A_184 = arith.addi %add3A_183, %mul3A_35 : vector<16xi32>
      %add3A_185 = arith.constant 4 : i32
      %add3A_186 = vector.broadcast %add3A_185 : i32 to vector<16xi32>
      %add3A_187 = arith.addi %add3A_184, %add3A_186 : vector<16xi32>
      %gather3A_188 = tpu.vector_load_idx %arg5[%add3A_187] : memref<8192xf32, #tpu.memory_space<vmem>>[vector<16xi32>], vector<16xf32>,
      %add3A_189 = vector.broadcast %mul3A_85 : i32 to vector<16xi32>
      %add3A_190 = arith.addi %add3A_189, %mul3A_35 : vector<16xi32>
      %add3A_191 = arith.constant 5 : i32
      %add3A_192 = vector.broadcast %add3A_191 : i32 to vector<16xi32>
      %add3A_193 = arith.addi %add3A_190, %add3A_192 : vector<16xi32>
      %gather3A_194 = tpu.vector_load_idx %arg5[%add3A_193] : memref<8192xf32, #tpu.memory_space<vmem>>[vector<16xi32>], vector<16xf32>,
      %add3A_195 = vector.broadcast %mul3A_85 : i32 to vector<16xi32>
      %add3A_196 = arith.addi %add3A_195, %mul3A_35 : vector<16xi32>
      %add3A_197 = arith.constant 6 : i32
      %add3A_198 = vector.broadcast %add3A_197 : i32 to vector<16xi32>
      %add3A_199 = arith.addi %add3A_196, %add3A_198 : vector<16xi32>
      %gather3A_200 = tpu.vector_load_idx %arg5[%add3A_199] : memref<8192xf32, #tpu.memory_space<vmem>>[vector<16xi32>], vector<16xf32>,
      %add3A_201 = vector.broadcast %mul3A_85 : i32 to vector<16xi32>
      %add3A_202 = arith.addi %add3A_201, %mul3A_35 : vector<16xi32>
      %add3A_203 = arith.constant 7 : i32
      %add3A_204 = vector.broadcast %add3A_203 : i32 to vector<16xi32>
      %add3A_205 = arith.addi %add3A_202, %add3A_204 : vector<16xi32>
      %gather3A_206 = tpu.vector_load_idx %arg5[%add3A_205] : memref<8192xf32, #tpu.memory_space<vmem>>[vector<16xi32>], vector<16xf32>,
      %sub3A_207 = arith.subf %gather3A_164, %gather3A_95 : vector<16xf32>
      %sub3A_208 = arith.subf %gather3A_170, %gather3A_95 : vector<16xf32>
      %sub3A_209 = arith.subf %gather3A_176, %gather3A_95 : vector<16xf32>
      %sub3A_210 = arith.subf %gather3A_182, %gather3A_101 : vector<16xf32>
      %sub3A_211 = arith.subf %gather3A_188, %gather3A_107 : vector<16xf32>
      %sub3A_212 = arith.subf %gather3A_194, %gather3A_95 : vector<16xf32>
      %sub3A_213 = arith.subf %gather3A_200, %gather3A_101 : vector<16xf32>
      %sub3A_214 = arith.subf %gather3A_206, %gather3A_107 : vector<16xf32>
      %mul3A_215 = arith.mulf %sub3A_207, %sub3A_207 : vector<16xf32>
      %mul3A_216 = arith.mulf %select_n3A_137, %mul3A_215 : vector<16xf32>
      %mul3A_217 = arith.mulf %sub3A_208, %sub3A_208 : vector<16xf32>
      %mul3A_218 = arith.mulf %select_n3A_145, %mul3A_217 : vector<16xf32>
      %add3A_219 = arith.addf %mul3A_216, %mul3A_218 : vector<16xf32>
      %mul3A_220 = arith.mulf %sub3A_209, %sub3A_209 : vector<16xf32>
      %mul3A_221 = arith.mulf %sub3A_210, %sub3A_210 : vector<16xf32>
      %add3A_222 = arith.addf %mul3A_220, %mul3A_221 : vector<16xf32>
      %mul3A_223 = arith.mulf %sub3A_211, %sub3A_211 : vector<16xf32>
      %add3A_224 = arith.addf %add3A_222, %mul3A_223 : vector<16xf32>
      %mul3A_225 = arith.mulf %select_n3A_153, %add3A_224 : vector<16xf32>
      %add3A_226 = arith.addf %add3A_219, %mul3A_225 : vector<16xf32>
      %mul3A_227 = arith.mulf %sub3A_212, %sub3A_212 : vector<16xf32>
      %mul3A_228 = arith.mulf %sub3A_213, %sub3A_213 : vector<16xf32>
      %add3A_229 = arith.addf %mul3A_227, %mul3A_228 : vector<16xf32>
      %mul3A_230 = arith.mulf %sub3A_214, %sub3A_214 : vector<16xf32>
      %add3A_231 = arith.addf %add3A_229, %mul3A_230 : vector<16xf32>
      %mul3A_232 = arith.mulf %select_n3A_161, %add3A_231 : vector<16xf32>
      %add3A_233 = arith.addf %add3A_226, %mul3A_232 : vector<16xf32>
      %add3A_234 = arith.addf %scan3A_83, %add3A_233 : vector<16xf32>
      %scan3A_235 = arith.constant 1 : i32
      %scan3A_236 = arith.addi %scan3A_82, %scan3A_235 : i32
      %mul3A_237 = arith.constant 128 : i32
      %mul3A_238 = arith.muli %scan3A_236, %mul3A_237 : i32
      %mul3A_239 = arith.constant 64 : i32
      %mul3A_240 = arith.muli %scan3A_236, %mul3A_239 : i32
      %add3A_241 = vector.broadcast %mul3A_240 : i32 to vector<16xi32>
      %add3A_242 = arith.addi %add3A_241, %mul3A_38 : vector<16xi32>
      %gather3A_243 = tpu.vector_load_idx %arg6[%add3A_242] : memref<4096xf32, #tpu.memory_space<vmem>>[vector<16xi32>], vector<16xf32>,
      %add3A_244 = vector.broadcast %mul3A_240 : i32 to vector<16xi32>
      %add3A_245 = arith.addi %add3A_244, %mul3A_38 : vector<16xi32>
      %add3A_246 = arith.constant 1 : i32
      %add3A_247 = vector.broadcast %add3A_246 : i32 to vector<16xi32>
      %add3A_248 = arith.addi %add3A_245, %add3A_247 : vector<16xi32>
      %gather3A_249 = tpu.vector_load_idx %arg6[%add3A_248] : memref<4096xf32, #tpu.memory_space<vmem>>[vector<16xi32>], vector<16xf32>,
      %add3A_250 = vector.broadcast %mul3A_240 : i32 to vector<16xi32>
      %add3A_251 = arith.addi %add3A_250, %mul3A_38 : vector<16xi32>
      %add3A_252 = arith.constant 2 : i32
      %add3A_253 = vector.broadcast %add3A_252 : i32 to vector<16xi32>
      %add3A_254 = arith.addi %add3A_251, %add3A_253 : vector<16xi32>
      %gather3A_255 = tpu.vector_load_idx %arg6[%add3A_254] : memref<4096xf32, #tpu.memory_space<vmem>>[vector<16xi32>], vector<16xf32>,
      %add3A_256 = vector.broadcast %mul3A_240 : i32 to vector<16xi32>
      %add3A_257 = arith.addi %add3A_256, %mul3A_38 : vector<16xi32>
      %add3A_258 = arith.constant 3 : i32
      %add3A_259 = vector.broadcast %add3A_258 : i32 to vector<16xi32>
      %add3A_260 = arith.addi %add3A_257, %add3A_259 : vector<16xi32>
      %gather3A_261 = tpu.vector_load_idx %arg6[%add3A_260] : memref<4096xf32, #tpu.memory_space<vmem>>[vector<16xi32>], vector<16xf32>,
      %add3A_262 = arith.constant 5.000000e-01 : f32
      %add3A_263 = vector.broadcast %add3A_262 : f32 to vector<16xf32>
      %add3A_264 = arith.addf %gather3A_243, %add3A_263 : vector<16xf32>
      %convert_element_type3A_265 = arith.fptosi %add3A_264 : vector<16xf32> to vector<16xi32>
      %convert_element_type3A_266 = arith.sitofp %convert_element_type3A_265 : vector<16xi32> to vector<16xf32>
      %gt3A_267 = arith.cmpf ogt, %convert_element_type3A_266, %add3A_264 : vector<16xf32>
      %jit3A_268 = arith.constant 1 : i32
      %jit3A_269 = arith.constant 0 : i32
      %broadcast_in_dim3A_270 = vector.broadcast %jit3A_268 : i32 to vector<16xi32>
      %broadcast_in_dim3A_271 = vector.broadcast %jit3A_269 : i32 to vector<16xi32>
      %select_n3A_272 = arith.select %gt3A_267, %broadcast_in_dim3A_270, %broadcast_in_dim3A_271 : vector<16xi1>, vector<16xi32>
      %sub3A_273 = arith.subi %convert_element_type3A_265, %select_n3A_272 : vector<16xi32>
      %convert_element_type3A_274 = arith.sitofp %sub3A_273 : vector<16xi32> to vector<16xf32>
      %eq3A_275 = arith.cmpf oeq, %convert_element_type3A_274, %add3A_264 : vector<16xf32>
      %and3A_276 = arith.constant 1 : i32
      %and3A_277 = vector.broadcast %and3A_276 : i32 to vector<16xi32>
      %and3A_278 = arith.andi %sub3A_273, %and3A_277 : vector<16xi32>
      %eq3A_279 = arith.constant 1 : i32
      %eq3A_280 = vector.broadcast %eq3A_279 : i32 to vector<16xi32>
      %eq3A_281 = arith.cmpi eq, %and3A_278, %eq3A_280 : vector<16xi32>
      %and3A_282 = arith.andi %eq3A_275, %eq3A_281 : vector<16xi1>
      %jit3A_283 = arith.constant 1 : i32
      %jit3A_284 = arith.constant 0 : i32
      %broadcast_in_dim3A_285 = vector.broadcast %jit3A_283 : i32 to vector<16xi32>
      %broadcast_in_dim3A_286 = vector.broadcast %jit3A_284 : i32 to vector<16xi32>
      %select_n3A_287 = arith.select %and3A_282, %broadcast_in_dim3A_285, %broadcast_in_dim3A_286 : vector<16xi1>, vector<16xi32>
      %sub3A_288 = arith.subi %sub3A_273, %select_n3A_287 : vector<16xi32>
      %eq3A_289 = arith.constant 0 : i32
      %eq3A_290 = vector.broadcast %eq3A_289 : i32 to vector<16xi32>
      %eq3A_291 = arith.cmpi eq, %sub3A_288, %eq3A_290 : vector<16xi32>
      %jit3A_292 = arith.constant 1.000000e+00 : f32
      %jit3A_293 = arith.constant 0.000000e+00 : f32
      %broadcast_in_dim3A_294 = vector.broadcast %jit3A_292 : f32 to vector<16xf32>
      %broadcast_in_dim3A_295 = vector.broadcast %jit3A_293 : f32 to vector<16xf32>
      %select_n3A_296 = arith.select %eq3A_291, %broadcast_in_dim3A_294, %broadcast_in_dim3A_295 : vector<16xi1>, vector<16xf32>
      %eq3A_297 = arith.constant 1 : i32
      %eq3A_298 = vector.broadcast %eq3A_297 : i32 to vector<16xi32>
      %eq3A_299 = arith.cmpi eq, %sub3A_288, %eq3A_298 : vector<16xi32>
      %jit3A_300 = arith.constant 1.000000e+00 : f32
      %jit3A_301 = arith.constant 0.000000e+00 : f32
      %broadcast_in_dim3A_302 = vector.broadcast %jit3A_300 : f32 to vector<16xf32>
      %broadcast_in_dim3A_303 = vector.broadcast %jit3A_301 : f32 to vector<16xf32>
      %select_n3A_304 = arith.select %eq3A_299, %broadcast_in_dim3A_302, %broadcast_in_dim3A_303 : vector<16xi1>, vector<16xf32>
      %eq3A_305 = arith.constant 2 : i32
      %eq3A_306 = vector.broadcast %eq3A_305 : i32 to vector<16xi32>
      %eq3A_307 = arith.cmpi eq, %sub3A_288, %eq3A_306 : vector<16xi32>
      %jit3A_308 = arith.constant 0.333333343 : f32
      %jit3A_309 = arith.constant 0.000000e+00 : f32
      %broadcast_in_dim3A_310 = vector.broadcast %jit3A_308 : f32 to vector<16xf32>
      %broadcast_in_dim3A_311 = vector.broadcast %jit3A_309 : f32 to vector<16xf32>
      %select_n3A_312 = arith.select %eq3A_307, %broadcast_in_dim3A_310, %broadcast_in_dim3A_311 : vector<16xi1>, vector<16xf32>
      %eq3A_313 = arith.constant 3 : i32
      %eq3A_314 = vector.broadcast %eq3A_313 : i32 to vector<16xi32>
      %eq3A_315 = arith.cmpi eq, %sub3A_288, %eq3A_314 : vector<16xi32>
      %jit3A_316 = arith.constant 0.333333343 : f32
      %jit3A_317 = arith.constant 0.000000e+00 : f32
      %broadcast_in_dim3A_318 = vector.broadcast %jit3A_316 : f32 to vector<16xf32>
      %broadcast_in_dim3A_319 = vector.broadcast %jit3A_317 : f32 to vector<16xf32>
      %select_n3A_320 = arith.select %eq3A_315, %broadcast_in_dim3A_318, %broadcast_in_dim3A_319 : vector<16xi1>, vector<16xf32>
      %add3A_321 = vector.broadcast %mul3A_238 : i32 to vector<16xi32>
      %add3A_322 = arith.addi %add3A_321, %mul3A_35 : vector<16xi32>
      %gather3A_323 = tpu.vector_load_idx %arg5[%add3A_322] : memref<8192xf32, #tpu.memory_space<vmem>>[vector<16xi32>], vector<16xf32>,
      %add3A_324 = vector.broadcast %mul3A_238 : i32 to vector<16xi32>
      %add3A_325 = arith.addi %add3A_324, %mul3A_35 : vector<16xi32>
      %add3A_326 = arith.constant 1 : i32
      %add3A_327 = vector.broadcast %add3A_326 : i32 to vector<16xi32>
      %add3A_328 = arith.addi %add3A_325, %add3A_327 : vector<16xi32>
      %gather3A_329 = tpu.vector_load_idx %arg5[%add3A_328] : memref<8192xf32, #tpu.memory_space<vmem>>[vector<16xi32>], vector<16xf32>,
      %add3A_330 = vector.broadcast %mul3A_238 : i32 to vector<16xi32>
      %add3A_331 = arith.addi %add3A_330, %mul3A_35 : vector<16xi32>
      %add3A_332 = arith.constant 2 : i32
      %add3A_333 = vector.broadcast %add3A_332 : i32 to vector<16xi32>
      %add3A_334 = arith.addi %add3A_331, %add3A_333 : vector<16xi32>
      %gather3A_335 = tpu.vector_load_idx %arg5[%add3A_334] : memref<8192xf32, #tpu.memory_space<vmem>>[vector<16xi32>], vector<16xf32>,
      %add3A_336 = vector.broadcast %mul3A_238 : i32 to vector<16xi32>
      %add3A_337 = arith.addi %add3A_336, %mul3A_35 : vector<16xi32>
      %add3A_338 = arith.constant 3 : i32
      %add3A_339 = vector.broadcast %add3A_338 : i32 to vector<16xi32>
      %add3A_340 = arith.addi %add3A_337, %add3A_339 : vector<16xi32>
      %gather3A_341 = tpu.vector_load_idx %arg5[%add3A_340] : memref<8192xf32, #tpu.memory_space<vmem>>[vector<16xi32>], vector<16xf32>,
      %add3A_342 = vector.broadcast %mul3A_238 : i32 to vector<16xi32>
      %add3A_343 = arith.addi %add3A_342, %mul3A_35 : vector<16xi32>
      %add3A_344 = arith.constant 4 : i32
      %add3A_345 = vector.broadcast %add3A_344 : i32 to vector<16xi32>
      %add3A_346 = arith.addi %add3A_343, %add3A_345 : vector<16xi32>
      %gather3A_347 = tpu.vector_load_idx %arg5[%add3A_346] : memref<8192xf32, #tpu.memory_space<vmem>>[vector<16xi32>], vector<16xf32>,
      %add3A_348 = vector.broadcast %mul3A_238 : i32 to vector<16xi32>
      %add3A_349 = arith.addi %add3A_348, %mul3A_35 : vector<16xi32>
      %add3A_350 = arith.constant 5 : i32
      %add3A_351 = vector.broadcast %add3A_350 : i32 to vector<16xi32>
      %add3A_352 = arith.addi %add3A_349, %add3A_351 : vector<16xi32>
      %gather3A_353 = tpu.vector_load_idx %arg5[%add3A_352] : memref<8192xf32, #tpu.memory_space<vmem>>[vector<16xi32>], vector<16xf32>,
      %add3A_354 = vector.broadcast %mul3A_238 : i32 to vector<16xi32>
      %add3A_355 = arith.addi %add3A_354, %mul3A_35 : vector<16xi32>
      %add3A_356 = arith.constant 6 : i32
      %add3A_357 = vector.broadcast %add3A_356 : i32 to vector<16xi32>
      %add3A_358 = arith.addi %add3A_355, %add3A_357 : vector<16xi32>
      %gather3A_359 = tpu.vector_load_idx %arg5[%add3A_358] : memref<8192xf32, #tpu.memory_space<vmem>>[vector<16xi32>], vector<16xf32>,
      %add3A_360 = vector.broadcast %mul3A_238 : i32 to vector<16xi32>
      %add3A_361 = arith.addi %add3A_360, %mul3A_35 : vector<16xi32>
      %add3A_362 = arith.constant 7 : i32
      %add3A_363 = vector.broadcast %add3A_362 : i32 to vector<16xi32>
      %add3A_364 = arith.addi %add3A_361, %add3A_363 : vector<16xi32>
      %gather3A_365 = tpu.vector_load_idx %arg5[%add3A_364] : memref<8192xf32, #tpu.memory_space<vmem>>[vector<16xi32>], vector<16xf32>,
      %sub3A_366 = arith.subf %gather3A_323, %gather3A_249 : vector<16xf32>
      %sub3A_367 = arith.subf %gather3A_329, %gather3A_249 : vector<16xf32>
      %sub3A_368 = arith.subf %gather3A_335, %gather3A_249 : vector<16xf32>
      %sub3A_369 = arith.subf %gather3A_341, %gather3A_255 : vector<16xf32>
      %sub3A_370 = arith.subf %gather3A_347, %gather3A_261 : vector<16xf32>
      %sub3A_371 = arith.subf %gather3A_353, %gather3A_249 : vector<16xf32>
      %sub3A_372 = arith.subf %gather3A_359, %gather3A_255 : vector<16xf32>
      %sub3A_373 = arith.subf %gather3A_365, %gather3A_261 : vector<16xf32>
      %mul3A_374 = arith.mulf %sub3A_366, %sub3A_366 : vector<16xf32>
      %mul3A_375 = arith.mulf %select_n3A_296, %mul3A_374 : vector<16xf32>
      %mul3A_376 = arith.mulf %sub3A_367, %sub3A_367 : vector<16xf32>
      %mul3A_377 = arith.mulf %select_n3A_304, %mul3A_376 : vector<16xf32>
      %add3A_378 = arith.addf %mul3A_375, %mul3A_377 : vector<16xf32>
      %mul3A_379 = arith.mulf %sub3A_368, %sub3A_368 : vector<16xf32>
      %mul3A_380 = arith.mulf %sub3A_369, %sub3A_369 : vector<16xf32>
      %add3A_381 = arith.addf %mul3A_379, %mul3A_380 : vector<16xf32>
      %mul3A_382 = arith.mulf %sub3A_370, %sub3A_370 : vector<16xf32>
      %add3A_383 = arith.addf %add3A_381, %mul3A_382 : vector<16xf32>
      %mul3A_384 = arith.mulf %select_n3A_312, %add3A_383 : vector<16xf32>
      %add3A_385 = arith.addf %add3A_378, %mul3A_384 : vector<16xf32>
      %mul3A_386 = arith.mulf %sub3A_371, %sub3A_371 : vector<16xf32>
      %mul3A_387 = arith.mulf %sub3A_372, %sub3A_372 : vector<16xf32>
      %add3A_388 = arith.addf %mul3A_386, %mul3A_387 : vector<16xf32>
      %mul3A_389 = arith.mulf %sub3A_373, %sub3A_373 : vector<16xf32>
      %add3A_390 = arith.addf %add3A_388, %mul3A_389 : vector<16xf32>
      %mul3A_391 = arith.mulf %select_n3A_320, %add3A_390 : vector<16xf32>
      %add3A_392 = arith.addf %add3A_385, %mul3A_391 : vector<16xf32>
      %add3A_393 = arith.addf %add3A_234, %add3A_392 : vector<16xf32>
      scf.yield %add3A_393 : vector<16xf32>
    }
    %scan3A_73 = arith.constant 32 : i32
    %mul3A_74 = arith.constant 6.10351563E-5 : f32
    %mul3A_75 = vector.broadcast %mul3A_74 : f32 to vector<16xf32>
    %mul3A_76 = arith.mulf %scan3A_72, %mul3A_75 : vector<16xf32>
    %swap3A = arith.constant 0 : index
    %swap3A_77 = tpu.vector_load %arg7[%swap3A] {strides = array<i32>} : memref<16xf32, #tpu.memory_space<vmem>>, vector<16xf32>,
    tpu.vector_store %arg7[%swap3A], %mul3A_76 {strides = array<i32>} : memref<16xf32, #tpu.memory_space<vmem>>, vector<16xf32>,
    %mul3A_78 = arith.constant 16 : i32
    %mul3A_79 = arith.muli %arg1, %mul3A_78 : i32
    "tpu.region"() ({
      %run_scoped3A = tpu.sem_alloc : memref<!tpu.dma_semaphore, #tpu.memory_space<semaphore_mem>>
      %dma_start3A_82 = tpu.memref_slice %arg10[%mul3A_79] : memref<256xf32, #tpu.memory_space<vmem_shared>> -> memref<16xf32, #tpu.memory_space<vmem_shared>>
      %dma_start3A_83 = tpu.memref_slice %arg10[%mul3A_79] : memref<256xf32, #tpu.memory_space<vmem_shared>> -> memref<16xf32, #tpu.memory_space<vmem_shared>>
      tpu.enqueue_dma source(%arg7 : memref<16xf32, #tpu.memory_space<vmem>>) target(%dma_start3A_83 : memref<16xf32, #tpu.memory_space<vmem_shared>>) target_semaphore(%run_scoped3A : memref<!tpu.dma_semaphore, #tpu.memory_space<semaphore_mem>>)
      %dma_wait3A_84 = tpu.memref_slice %arg10[%mul3A_79] : memref<256xf32, #tpu.memory_space<vmem_shared>> -> memref<16xf32, #tpu.memory_space<vmem_shared>>
      %dma_wait3A_85 = tpu.memref_slice %arg10[%mul3A_79] : memref<256xf32, #tpu.memory_space<vmem_shared>> -> memref<16xf32, #tpu.memory_space<vmem_shared>>
      tpu.wait_dma2 semaphore(%run_scoped3A : memref<!tpu.dma_semaphore, #tpu.memory_space<semaphore_mem>>) src(%arg7 : memref<16xf32, #tpu.memory_space<vmem>>) dst(%dma_wait3A_85 : memref<16xf32, #tpu.memory_space<vmem_shared>>)
      tpu.yield
    }) : () -> ()
    %barrier3A = arith.constant 0 : index
    tpu.barrier barrier_id(%barrier3A)
    %eq3A = arith.constant 0 : i32
    %eq3A_80 = arith.cmpi eq, %arg1, %eq3A : i32
    %convert_element_type3A = arith.extui %eq3A_80 : i1 to i32
    %cond3A = arith.constant 0 : i32
    %cond3A_81 = arith.cmpi ne, %convert_element_type3A, %cond3A : i32
    scf.if %cond3A_81 {
      "tpu.region"() ({
        %run_scoped3A = tpu.sem_alloc : memref<!tpu.dma_semaphore, #tpu.memory_space<semaphore_mem>>
        tpu.enqueue_dma source(%arg10 : memref<256xf32, #tpu.memory_space<vmem_shared>>) target(%arg8 : memref<256xf32, #tpu.memory_space<vmem>>) target_semaphore(%run_scoped3A : memref<!tpu.dma_semaphore, #tpu.memory_space<semaphore_mem>>)
        tpu.wait_dma2 semaphore(%run_scoped3A : memref<!tpu.dma_semaphore, #tpu.memory_space<semaphore_mem>>) src(%arg10 : memref<256xf32, #tpu.memory_space<vmem_shared>>) dst(%arg8 : memref<256xf32, #tpu.memory_space<vmem>>)
        tpu.yield
      }) : () -> ()
      %get3A = arith.constant 0 : index
      %get3A_82 = tpu.vector_load %arg8[%get3A] {strides = array<i32>} : memref<256xf32, #tpu.memory_space<vmem>>, vector<16xf32>,
      %get3A_83 = arith.constant 16 : index
      %get3A_84 = tpu.vector_load %arg8[%get3A_83] {strides = array<i32>} : memref<256xf32, #tpu.memory_space<vmem>>, vector<16xf32>,
      %add3A_85 = arith.addf %get3A_82, %get3A_84 : vector<16xf32>
      %get3A_86 = arith.constant 32 : index
      %get3A_87 = tpu.vector_load %arg8[%get3A_86] {strides = array<i32>} : memref<256xf32, #tpu.memory_space<vmem>>, vector<16xf32>,
      %add3A_88 = arith.addf %add3A_85, %get3A_87 : vector<16xf32>
      %get3A_89 = arith.constant 48 : index
      %get3A_90 = tpu.vector_load %arg8[%get3A_89] {strides = array<i32>} : memref<256xf32, #tpu.memory_space<vmem>>, vector<16xf32>,
      %add3A_91 = arith.addf %add3A_88, %get3A_90 : vector<16xf32>
      %get3A_92 = arith.constant 64 : index
      %get3A_93 = tpu.vector_load %arg8[%get3A_92] {strides = array<i32>} : memref<256xf32, #tpu.memory_space<vmem>>, vector<16xf32>,
      %add3A_94 = arith.addf %add3A_91, %get3A_93 : vector<16xf32>
      %get3A_95 = arith.constant 80 : index
      %get3A_96 = tpu.vector_load %arg8[%get3A_95] {strides = array<i32>} : memref<256xf32, #tpu.memory_space<vmem>>, vector<16xf32>,
      %add3A_97 = arith.addf %add3A_94, %get3A_96 : vector<16xf32>
      %get3A_98 = arith.constant 96 : index
      %get3A_99 = tpu.vector_load %arg8[%get3A_98] {strides = array<i32>} : memref<256xf32, #tpu.memory_space<vmem>>, vector<16xf32>,
      %add3A_100 = arith.addf %add3A_97, %get3A_99 : vector<16xf32>
      %get3A_101 = arith.constant 112 : index
      %get3A_102 = tpu.vector_load %arg8[%get3A_101] {strides = array<i32>} : memref<256xf32, #tpu.memory_space<vmem>>, vector<16xf32>,
      %add3A_103 = arith.addf %add3A_100, %get3A_102 : vector<16xf32>
      %get3A_104 = arith.constant 128 : index
      %get3A_105 = tpu.vector_load %arg8[%get3A_104] {strides = array<i32>} : memref<256xf32, #tpu.memory_space<vmem>>, vector<16xf32>,
      %add3A_106 = arith.addf %add3A_103, %get3A_105 : vector<16xf32>
      %get3A_107 = arith.constant 144 : index
      %get3A_108 = tpu.vector_load %arg8[%get3A_107] {strides = array<i32>} : memref<256xf32, #tpu.memory_space<vmem>>, vector<16xf32>,
      %add3A_109 = arith.addf %add3A_106, %get3A_108 : vector<16xf32>
      %get3A_110 = arith.constant 160 : index
      %get3A_111 = tpu.vector_load %arg8[%get3A_110] {strides = array<i32>} : memref<256xf32, #tpu.memory_space<vmem>>, vector<16xf32>,
      %add3A_112 = arith.addf %add3A_109, %get3A_111 : vector<16xf32>
      %get3A_113 = arith.constant 176 : index
      %get3A_114 = tpu.vector_load %arg8[%get3A_113] {strides = array<i32>} : memref<256xf32, #tpu.memory_space<vmem>>, vector<16xf32>,
      %add3A_115 = arith.addf %add3A_112, %get3A_114 : vector<16xf32>
      %get3A_116 = arith.constant 192 : index
      %get3A_117 = tpu.vector_load %arg8[%get3A_116] {strides = array<i32>} : memref<256xf32, #tpu.memory_space<vmem>>, vector<16xf32>,
      %add3A_118 = arith.addf %add3A_115, %get3A_117 : vector<16xf32>
      %get3A_119 = arith.constant 208 : index
      %get3A_120 = tpu.vector_load %arg8[%get3A_119] {strides = array<i32>} : memref<256xf32, #tpu.memory_space<vmem>>, vector<16xf32>,
      %add3A_121 = arith.addf %add3A_118, %get3A_120 : vector<16xf32>
      %get3A_122 = arith.constant 224 : index
      %get3A_123 = tpu.vector_load %arg8[%get3A_122] {strides = array<i32>} : memref<256xf32, #tpu.memory_space<vmem>>, vector<16xf32>,
      %add3A_124 = arith.addf %add3A_121, %get3A_123 : vector<16xf32>
      %get3A_125 = arith.constant 240 : index
      %get3A_126 = tpu.vector_load %arg8[%get3A_125] {strides = array<i32>} : memref<256xf32, #tpu.memory_space<vmem>>, vector<16xf32>,
      %add3A_127 = arith.addf %add3A_124, %get3A_126 : vector<16xf32>
      %reduce_sum3A = arith.constant true
      %reduce_sum3A_128 = vector.broadcast %reduce_sum3A : i1 to vector<16xi1>
      %reduce_sum3A_129 = tpu.scan <sum>, %add3A_127 masked %reduce_sum3A_128 : vector<16xf32>, vector<16xi1> -> vector<16xf32>
      %reduce_sum3A_130 = vector.extract %reduce_sum3A_129[15] : f32 from vector<16xf32>
      %broadcast_in_dim3A_131 = vector.broadcast %reduce_sum3A_130 : f32 to vector<16xf32>
      %swap3A_132 = arith.constant 0 : index
      %swap3A_133 = tpu.vector_load %arg9[%swap3A_132] {strides = array<i32>} : memref<16xf32, #tpu.memory_space<vmem>>, vector<16xf32>,
      tpu.vector_store %arg9[%swap3A_132], %broadcast_in_dim3A_131 {strides = array<i32>} : memref<16xf32, #tpu.memory_space<vmem>>, vector<16xf32>,
      "tpu.region"() ({
        %run_scoped3A = tpu.sem_alloc : memref<!tpu.dma_semaphore, #tpu.memory_space<semaphore_mem>>
        %dma_start3A_134 = arith.constant 0 : i32
        %dma_start3A_135 = tpu.memref_slice %arg9[%dma_start3A_134] : memref<16xf32, #tpu.memory_space<vmem>> -> memref<1xf32, #tpu.memory_space<vmem>>
        %dma_start3A_136 = arith.constant 0 : i32
        %dma_start3A_137 = tpu.memref_slice %arg9[%dma_start3A_136] : memref<16xf32, #tpu.memory_space<vmem>> -> memref<1xf32, #tpu.memory_space<vmem>>
        tpu.enqueue_dma source(%dma_start3A_137 : memref<1xf32, #tpu.memory_space<vmem>>) target(%arg4 : memref<1xf32, #tpu.memory_space<hbm>>) target_semaphore(%run_scoped3A : memref<!tpu.dma_semaphore, #tpu.memory_space<semaphore_mem>>)
        %dma_wait3A_138 = arith.constant 0 : i32
        %dma_wait3A_139 = tpu.memref_slice %arg9[%dma_wait3A_138] : memref<16xf32, #tpu.memory_space<vmem>> -> memref<1xf32, #tpu.memory_space<vmem>>
        %dma_wait3A_140 = arith.constant 0 : i32
        %dma_wait3A_141 = tpu.memref_slice %arg9[%dma_wait3A_140] : memref<16xf32, #tpu.memory_space<vmem>> -> memref<1xf32, #tpu.memory_space<vmem>>
        tpu.wait_dma2 semaphore(%run_scoped3A : memref<!tpu.dma_semaphore, #tpu.memory_space<semaphore_mem>>) src(%dma_wait3A_141 : memref<1xf32, #tpu.memory_space<vmem>>) dst(%arg4 : memref<1xf32, #tpu.memory_space<hbm>>)
        tpu.yield
      }) : () -> ()
    } else {
    }
    return
  }
}

</mosaic_0001>

<sc_bundles>
// kernel: action_loss8d_sc.3.cloned.1.call-start
scs
__scs_entry_jumppad:
0x0: {  	(pc) =	sbr.rel $0x88, $3  }
0x1: {  	(tag) =	ssettag $0x0;
	lr =	simm.s32 $0x1  }
0x2: {  	[smem:$0x3F9F] =	sst lr;
	_ =	strace $0xD0000000  }
0x3: {  	_ = 	snop  }
0x4: {  	_ = 	snop  }
0x5: {  	_ = 	snop  }
0x6: {  	_ = 	snop  }
0x7: {  	_ = 	snop  }
__scs_overlays_trampoline_lowered:
0x8: {  	[smem:$0x3FAE] =	sst s0  }
0x9: {  	[smem:$0x3FAF] =	sst s1  }
0xa: {  	[smem:$0x3FB0] =	sst s2  }
0xb: {  	[smem:$0x3FB1] =	sst s3  }
0xc: {  	[smem:$0x3FB2] =	sst s4  }
0xd: {  	[smem:$0x3FB3] =	sst s5  }
0xe: {  	[smem:$0x3FB4] =	sst s6  }
0xf: {  	[smem:$0x3FB5] =	sst s7  }
0x10: {  	[smem:$0x3FB6] =	sst s8  }
0x11: {  	[smem:$0x3FB7] =	sst s9;
	s0 =	simm.s32 @!p0 $0x0  }
0x12: {  	s1 =	sld [smem:$0x3F9D];
	s0 =	simm.s32 @p0 $0x1  }
0x13: {  	[smem:$0x3FB8] =	sst s0;
	s0 =	simm.s32 @!p1 $0x0  }
0x14: {  	s2 =	sld [smem:$0x3F9C];
	s0 =	simm.s32 @p1 $0x1  }
0x15: {  	[smem:$0x3FB9] =	sst s0;
	s0 =	simm.s32 @!p2 $0x0  }
0x16: {  	s3 =	sld [smem:$0x3FDB];
	s0 =	simm.s32 @p2 $0x1  }
0x17: {  	s4 =	simm.s32 $0x1BF5;
	[smem:$0x3FBB] =	sst s0  }
0x18: {  	s0 =	sld [smem:$0x3F9E];
	_ =	swait.ge [sflag:s4], $0x0  }
0x19: {  	s7 =	sld [smem:$0x3F9F]  }
0x1a: {  	s8 =	sadd.s32 $0xFFFFE003, lr  }
0x1b: {  	s9 =	sadd.s32 $0xFFFFFEF7, lr;
	s5 =	simm.s32 $0xFFFFFFFF;
	p2 =	slt.u32 s8, $0xFFFFF086  }
0x1c: {  	p1 =	slt.u32 s9, $0xF7A;
	s5 =	simm.s32 @!p2 $0x0  }
0x1d: {  	s5 =	simm.s32 @p1 $0x1;
	p0 =	seq.s32 s7, s2  }
0x1e: {  	s7 =	smul.u32 @!p0 $0xF7A, s2;
	p2 =	seq.s32 @!p0 s5, $0x0  }
0x1f: {  	s9 =	smul.u32 $0xF7A, s1;
	s8 =	simm.s32 @!p0 $0x1BF5;
	p2 =	por !p2, p0  }
0x20: {  	[sflag:s8] =	ssyncset.s32 @!p0 $0xFFFFF086;
	s6 =	sadd.s32 @!p0 s3, s7;
	s7 =	simm.s32 @!p0 $0x108  }
0x21: {  	s3 =	sadd.s32 s3, s9;
	s6 =	sadd.s32 @!p0 $0x88, s6;
	s7 =	simm.s32 @p2 $0x1082  }
0x22: {  	[simem:s7], [sflag:s8] =	dma.local @!p0 [hbm:s6], $0xF7A  }
0x23: {  	s9 =	sor.u32 $0xD0000000, s2;
	s6 =	simm.s32 $0x108;
	_ =	swait.ge @!p0 [sflag:s8], $0x0  }
0x24: {  	s3 =	sadd.s32 $0x88, s3;
	s6 =	simm.s32 @!p1 $0x1082;
	[sflag:s4] =	ssyncset.s32 $0xFFFFF086  }
0x25: {  	[simem:s6], [sflag:s4] =	dma.local [hbm:s3], $0xF7A  }
0x26: {  	[smem:$0x3F9F] =	sst s1;
	(tag) =	ssettag s2;
	_ =	strace s9  }
0x27: {  	s1 =	sld [smem:$0x3FAF]  }
0x28: {  	s2 =	sld [smem:$0x3FB0]  }
0x29: {  	s4 =	sld [smem:$0x3FB2]  }
0x2a: {  	p0 =	seq.s32 s5, $0x0;
	s5 =	sld [smem:$0x3FB3]  }
0x2b: {  	s6 =	sld [smem:$0x3FB4]  }
0x2c: {  	s7 =	sld [smem:$0x3FB5]  }
0x2d: {  	s3 =	simm.s32 $0x108;
	s8 =	sld [smem:$0x3FB6]  }
0x2e: {  	s3 =	simm.s32 @!p0 $0x1082;
	s9 =	sld [smem:$0x3FB7]  }
0x2f: {  	lr =	sadd.s32 s0, s3;
	s0 =	sld [smem:$0x3FAE]  }
0x30: {  	s3 =	sld [smem:$0x3FB1]  }
0x31: {  	[smem:$0x3FBA] =	sst s10  }
0x32: {  	s10 =	sld [smem:$0x3FB8];
	_ =	sdelay $0x3  }
0x33: {  	p0 =	seq.s32 s10, $0x1;
	s10 =	sld [smem:$0x3FBA];
	_ =	sdelay $0x3  }
0x34: {  	[smem:$0x3FBA] =	sst s10  }
0x35: {  	s10 =	sld [smem:$0x3FB9];
	_ =	sdelay $0x3  }
0x36: {  	p1 =	seq.s32 s10, $0x1;
	s10 =	sld [smem:$0x3FBA];
	_ =	sdelay $0x3  }
0x37: {  	[smem:$0x3FBA] =	sst s10  }
0x38: {  	s10 =	sld [smem:$0x3FBB]  }
0x39: {  	_ = 	snop;
	(pc) =	sbr.ind lr, $3  }
0x3a: {  	_ = 	snop  }
0x3b: {  	_ = 	snop  }
0x3c: {  	p2 =	seq.s32 s10, $0x1;
	s10 =	sld [smem:$0x3FBA]  }
0x3d: {  	_ =	shalt  }
0x3e: {  	_ =	shalt  }
0x3f: {  	_ =	shalt  }
0x40: {  	_ =	shalt  }
0x41: {  	_ =	shalt  }
0x42: {  	_ =	shalt  }
0x43: {  	_ =	shalt  }
0x44: {  	_ =	shalt  }
0x45: {  	_ =	shalt  }
0x46: {  	_ =	shalt  }
0x47: {  	_ =	shalt  }
0x48: {  	_ =	shalt  }
0x49: {  	_ =	shalt  }
0x4a: {  	_ =	shalt  }
0x4b: {  	_ =	shalt  }
0x4c: {  	_ =	shalt  }
0x4d: {  	_ =	shalt  }
0x4e: {  	_ =	shalt  }
0x4f: {  	_ =	shalt  }
0x50: {  	_ =	shalt  }
0x51: {  	_ =	shalt  }
0x52: {  	_ =	shalt  }
0x53: {  	_ =	shalt  }
0x54: {  	_ =	shalt  }
0x55: {  	_ =	shalt  }
0x56: {  	_ =	shalt  }
0x57: {  	_ =	shalt  }
0x58: {  	_ =	shalt  }
0x59: {  	_ =	shalt  }
0x5a: {  	_ =	shalt  }
0x5b: {  	_ =	shalt  }
0x5c: {  	_ =	shalt  }
0x5d: {  	_ =	shalt  }
0x5e: {  	_ =	shalt  }
0x5f: {  	_ =	shalt  }
0x60: {  	_ =	shalt  }
0x61: {  	_ =	shalt  }
0x62: {  	_ =	shalt  }
0x63: {  	_ =	shalt  }
0x64: {  	_ =	shalt  }
0x65: {  	_ =	shalt  }
0x66: {  	_ =	shalt  }
0x67: {  	_ =	shalt  }
0x68: {  	_ =	shalt  }
0x69: {  	_ =	shalt  }
0x6a: {  	_ =	shalt  }
0x6b: {  	_ =	shalt  }
0x6c: {  	_ =	shalt  }
0x6d: {  	_ =	shalt  }
0x6e: {  	_ =	shalt  }
0x6f: {  	_ =	shalt  }
0x70: {  	_ =	shalt  }
0x71: {  	_ =	shalt  }
0x72: {  	_ =	shalt  }
0x73: {  	_ =	shalt  }
0x74: {  	_ =	shalt  }
0x75: {  	_ =	shalt  }
0x76: {  	_ =	shalt  }
0x77: {  	_ =	shalt  }
0x78: {  	_ =	shalt  }
0x79: {  	_ =	shalt  }
0x7a: {  	_ =	shalt  }
0x7b: {  	_ =	shalt  }
0x7c: {  	_ =	shalt  }
0x7d: {  	_ =	shalt  }
0x7e: {  	_ =	shalt  }
0x7f: {  	_ =	shalt  }
0x80: {  	_ =	shalt  }
0x81: {  	_ =	shalt  }
0x82: {  	_ =	shalt  }
0x83: {  	_ =	shalt  }
0x84: {  	_ =	shalt  }
0x85: {  	_ =	shalt  }
0x86: {  	_ =	shalt  }
0x87: {  	_ =	shalt  }
.Lfunc_end0:
.L_simem_size_0:
called_computation_lowered:
.L_overlay_start_0:
0x88: {  	s0 =	sld [smem:$0x3FD9]  }
0x89: {  	s1 =	sld [smem:$0x3FFE];
	_ =	sdelay $0x3  }
0x8a: {  	s0 =	sadd.s32 s1, s0  }
0x8b: {  	[smem:$0x3FC6] =	sst s0  }
0x8c: {  	_ = 	snop  }
0x8d: {  	s0 =	sld [smem:$0x3FD0];
	(tm) =	ssettm $0x1  }
0x8e: {  	s16 =	sld [smem:$0x3FFB];
	_ =	sdelay $0x3  }
0x8f: {  	_ =	strace s16  }
0x90: {  	s1 =	sld [smem:$0x3FFC];
	_ =	sdelay $0x3  }
0x91: {  	_ =	strace s1  }
0x92: {  	s1 =	sld [smem:$0x3FFD];
	_ =	sdelay $0x3  }
0x93: {  	_ =	strace s1  }
0x94: {  	_ =	strace $0x8FFFFFFF  }
0x95: {  	s17 =	sld [smem:$0x3FDB];
	_ =	sdelay $0x1  }
0x96: {  	s2 =	simm.s32 $_scs_section_size  }
0x97: {  	s3 =	simm.s32 $_size__tile_overlayer_lowered;
	s4 =	simm.s32 $_tile_overlayer_lowered  }
0x98: {  	s20 =	simm.s32 $0x1BFF;
	s19 =	sshll.u32 s4, $0x1;
	s1 =	sadd.s32 s2, s17  }
0x99: {  	s5 =	simm.s32 $0x0;
	s18 =	sshll.u32 s3, $0x1;
	s3 =	sadd.s32 s19, s1  }
0x9a: {  	[timem:s5], [sflag:s20] =	dma.local [hbm:s3], s18  }
0x9b: {  	_ =	swait.ge [sflag:s20], s18  }
0x9c: {  	s2 =	ssub.s32 $0x0, s18;
	[sflag:s20] =	ssyncset.done $0x0  }
0x9d: {  	[sflag:s20] =	ssyncadd.s32 s2;
	_ =	sdelay $0x1  }
0x9e: {  	s21 =	simm.s32 $0x1B8B  }
0x9f: {  	_ =	swait.ge [sflag:s21], $0x1  }
0xa0: {  	[sflag:s21] =	ssyncset.done $0x0  }
0xa1: {  	s23 =	simm.s32 $0x1B8E;
	s22 =	sld [smem:$0x3FFE];
	[sflag:s21] =	ssyncadd.s32 $0xFFFFFFFF  }
0xa2: {  	s24 =	simm.s32 $execute0_lowered;
	[smem:$0x3FD2] =	sst s23  }
0xa3: {  	s3 =	sshll.u32 s24, $0x1;
	_ =	strace $0x80000046;
	[dreg:$0x1] =	wrdreg $0xFFFFFFFF  }
0xa4: {  	s25 =	simm.s32 $_size_execute0_lowered;
	s1 =	sadd.s32 s1, s3;
	[dreg:$0x0] =	wrdreg $0x0  }
0xa5: {  	s3 =	sshll.u32 s25, $0x1;
	[dreg:$0x2] =	wrdreg s1  }
0xa6: {  	[dreg:$0x3] =	wrdreg s3  }
0xa7: {  	[dreg:$0x4] =	wrdreg $0xC0  }
0xa8: {  	_ =	task [dreg:s5], $0x5FFFF  }
0xa9: {  	[dreg:$0x1] =	wrdreg $0xFFFFFFFF  }
0xaa: {  	[dreg:$0x0] =	wrdreg $0x60  }
0xab: {  	[dreg:$0x2] =	wrdreg s22  }
0xac: {  	[dreg:$0x3] =	wrdreg s0  }
0xad: {  	[dreg:$0x4] =	wrdreg $0x32000  }
0xae: {  	[dreg:$0x5] =	wrdreg $0x9  }
0xaf: {  	_ =	task.clear_ibuf [dreg:s5], $0x6FFFF;
	_ =	strace $0x90000046  }
0xb0: {  	s26 =	simm.s32 $0x9;
	_ =	strace $0x80000048  }
0xb1: {  	_ =	swait.ge [sflag:s26], $0x1  }
0xb2: {  	[sflag:s26] =	ssyncadd.s32 $0xFFFFFFFF  }
0xb3: {  	_ =	strace $0x90000048  }
0xb4: {  	_ =	sfence  }
0xb5: {  	s28 =	sld [smem:$0x0];
	_ =	sdelay $0x1  }
0xb6: {  	s29 =	srdreg.scid  }
0xb7: {  	s30 =	sshll.u32 s29, $0xD;
	s31 =	sshrl.u32 s29, $0x2  }
0xb8: {  	s2 =	sand.u32 $0x4000, s30;
	s1 =	sand.u32 $0x1, s29;
	s0 =	sadd.s32 s31, s28  }
0xb9: {  	s1 =	sor.u32 s2, s1;
	s0 =	sshll.u32 s0, $0x11  }
0xba: {  	s0 =	sor.u32 s0, s1  }
0xbb: {  	s0 =	sadd.s32 $0x8F2B, s0  }
0xbc: {  	[sflag:s0] =	ssyncadd.remote.s32 $0x1  }
0xbd: {  	_ =	sfence.sel $0xFFFF  }
0xbe: {  	[dreg:$0x0] =	wrdreg $0xFFFFFFFF;
	(pc) =	sbr.abs _section_cstart, $3  }
0xbf: {  	[dreg:$0x1] =	wrdreg $0xFFFFFFFF  }
0xc0: {  	_ =	task.clear_ibuf [dreg:s5], $0x2FFFF;
	_ =	strace $0x9FFFFFFF  }
0xc1: {  	(tm) =	ssettm $0x7FFFFFFF  }
tec
execute0_lowered:
.L_overlay_start_1:
0x0: {  	(tag) =	ssettag $0x1  }
0x1: {  	s5 =	rddreg [dreg:$0x0]  }
0x2: {  	s1 =	rddreg [dreg:$0x1]  }
0x3: {  	s2 =	rddreg [dreg:$0x2];
	s3 =	stileid.u32  }
0x4: {  	s0 =	rddreg [dreg:$0x3];
	s4 =	simm.s32 $0x0;
	s6 =	sshll.u32 s3, $0xA  }
0x5: {  	[smem:$0x7FF] =	sst s4;
	s7 =	sshll.u32 s3, $0x9;
	s6 =	sadd.s32 s6, s5  }
0x6: {  	_ =	strace $0x80000047;
	s7 =	sadd.s32 s7, s5;
	s24 =	sadd.s32 $0x600, s6  }
0x7: {  	[tilespmem:s4], [sflag:$0x1] =	stream.linear.gather [hbm4b:s24+s4], $0x1000, $0x38;
	[tilespmem:$0x3210] =	vst v63  }
0x8: {  	s5 =	simm.s32 $0x2000;
	s8 =	sadd.s32 $0x4600, s7  }
0x9: {  	[tilespmem:s5], [sflag:$0x1] =	stream.linear.gather [hbm4b:s8+s4], $0x800, $0x38;
	[tilespmem:$0x3210] =	vst v63  }
0xa: {  	s25 =	simm.s32 $0x1000;
	s6 =	sadd.s32 $0x800, s6  }
0xb: {  	[tilespmem:s25], [sflag:$0x2] =	stream.linear.gather [hbm4b:s6+s4], $0x1000, $0x38;
	[tilespmem:$0x3210] =	vst v63  }
0xc: {  	s28 =	simm.s32 $0x2800;
	v1 =	vlaneseq.u32;
	s29 =	simm.s32 $0x1;
	s26 =	sadd.s32 $0x4700, s7  }
0xd: {  	v0 =	vmul.u32 $0x4, v1;
	[tilespmem:s28], [sflag:$0x2] =	stream.linear.gather [hbm4b:s26+s4], $0x800, $0x38;
	[tilespmem:$0x3210] =	vst v63  }
0xe: {  	s30 =	simm.s32 $0x40;
	v1 =	vmul.u32 $0x8, v1;
	_ =	swait.ge [sflag:s29], $0x1000  }
0xf: {  	s31 =	simm.s32 $0x0;
	v2 =	vor.u32 $0x1, v0;
	v9 =	vor.u32 s30, v0;
	[sflag:s29] =	ssyncset.done $0x0  }
0x10: {  	s9 =	simm.s32 $0x0;
	v4 =	vor.u32 $0x5, v1;
	v11 =	vor.u32 s31, v2;
	[sflag:s29] =	ssyncadd.s32 $0xFFFFF000  }
0x11: {  	v13 =	vor.u32 s9, v4;
	_ =	swait.ge [sflag:s29], $0x800  }
0x12: {  	v5 =	vor.u32 $0x2, v0;
	v15 =	vor.u32 s31, v0;
	[sflag:s29] =	ssyncset.done $0x0  }
0x13: {  	v6 =	vor.u32 $0x7, v1;
	v17 =	vor.u32 s31, v5;
	[sflag:s29] =	ssyncadd.s32 $0xFFFFF800  }
0x14: {  	v10 =	vor.u32 $0x6, v1;
	v18 =	vor.u32 s9, v6;
	v19 =	vld.idx.msk [tilespmem:v9+s5+$0x0], $0xffff  }
0x15: {  	v7 =	vor.u32 $0x3, v0;
	v22 =	vor.u32 s9, v10;
	v21 =	vld.idx.msk [tilespmem:v11+s5+$0x0], $0xffff  }
0x16: {  	v12 =	vor.u32 $0x3, v1;
	v24 =	vor.u32 s31, v7;
	v23 =	vld.idx.msk [tilespmem:v13+s4+$0x0], $0xffff  }
0x17: {  	v26 =	vor.u32 s9, v12;
	v25 =	vld.idx.msk [tilespmem:v15+s5+$0x0], $0xffff  }
0x18: {  	v27 =	vor.u32 s9, v1;
	s6 =	simm.s32 $0x80;
	v17 =	vld.idx.msk [tilespmem:v17+s5+$0x0], $0xffff  }
0x19: {  	v14 =	vor.u32 $0x41, v0;
	v33 =	vor.u32 s6, v1;
	v18 =	vld.idx.msk [tilespmem:v18+s4+$0x0], $0xffff  }
0x1a: {  	v16 =	vor.u32 $0x43, v0;
	v32 =	vor.u32 s30, v14;
	v22 =	vld.idx.msk [tilespmem:v22+s4+$0x0], $0xffff  }
0x1b: {  	v31 =	vor.u32 s30, v16;
	v11 =	vor.u32 $0x2, v1;
	v24 =	vld.idx.msk [tilespmem:v24+s5+$0x0], $0xffff  }
0x1c: {  	v3 =	vimm.f32 $0.0e+00;
	v26 =	vld.idx.msk [tilespmem:v26+s4+$0x0], $0xffff;
	v30 =	vor.u32 s9, v11  }
0x1d: {  	v8 =	vor.u32 $0x1, v1;
	v13 =	vor.u32 $0x4, v1;
	v27 =	vld.idx.msk [tilespmem:v27+s4+$0x0], $0xffff;
	v35 =	vor.u32 s6, v11  }
0x1e: {  	v20 =	vor.u32 s9, v8;
	v28 =	vor.u32 s6, v4;
	v33 =	vld.idx.msk [tilespmem:v33+s4+$0x0], $0xffff;
	v42 =	vor.u32 s6, v13  }
0x1f: {  	v34 =	vor.u32 s6, v6;
	v36 =	vor.u32 s6, v10;
	v38 =	vor.u32 s6, v8;
	v56 =	vld.idx.msk [tilespmem:v32+s5+$0x0], $0xffff  }
0x20: {  	v41 =	vor.u32 s6, v12;
	v9 =	vimm.s32 $0x0;
	v59 =	vld.idx.msk [tilespmem:v31+s5+$0x0], $0xffff;
	v29 =	vor.u32 s9, v13  }
0x21: {  	v15 =	vor.u32 $0x42, v0;
	v19 =	vadd.f32 $5.000000000e-01, v19;
	v23 =	vsub.f32 v23, v21;
	v30 =	vld.idx.msk [tilespmem:v30+s4+$0x0], $0xffff  }
0x22: {  	v40 =	vor.u32 s30, v15;
	v25 =	vadd.f32 $5.000000000e-01, v25;
	v44 =	vsub.f32 v18, v24;
	v61 =	vld.idx.msk [tilespmem:v35+s4+$0x0], $0xffff  }
0x23: {  	v22 =	vsub.f32 v22, v17;
	v17 =	vsub.f32 v26, v17;
	v63 =	vld.idx.msk [tilespmem:v42+s4+$0x0], $0xffff;
	v37 =	vtrunc.f32 v19  }
0x24: {  	v20 =	vld.idx.msk [tilespmem:v20+s4+$0x0], $0xffff;
	v31 =	vsub.f32 v27, v21;
	v39 =	vcvt.f32.s32 v37;
	vm0 =	vlt.f32 v19, v37  }
0x25: {  	v33 =	vsub.f32 v33, v56;
	v29 =	vld.idx.msk [tilespmem:v29+s4+$0x0], $0xffff;
	v43 =	vtrunc.f32 v25;
	v37 =	vsel vm0, $0xFFFFFFFF, v9  }
0x26: {  	v22 =	vmul.f32 v22, v22;
	v17 =	vmul.f32 v17, v17;
	v37 =	vadd.s32 v39, v37  }
0x27: {  	v32 =	vmul.f32 v44, v44;
	v39 =	vcvt.s32.f32 v37;
	v26 =	vsub.f32 v30, v21  }
0x28: {  	v27 =	vld.idx.msk [tilespmem:v34+s4+$0x0], $0xffff;
	v18 =	vand.u32 $0x1, v37;
	v34 =	vsub.f32 v61, v56;
	v35 =	vsub.f32 v63, v59  }
0x29: {  	vm1 =	veq.s32 v18, $0x1;
	v18 =	vsub.f32 v20, v21;
	v20 =	vcvt.f32.s32 v43  }
0x2a: {  	v28 =	vld.idx.msk [tilespmem:v28+s4+$0x0], $0xffff;
	v21 =	vsub.f32 v29, v24;
	vm0 =	veq.f32 v19, v39;
	v19 =	vmul.f32 v23, v23  }
0x2b: {  	v57 =	vld.idx.msk [tilespmem:v40+s5+$0x0], $0xffff;
	vm0 =	vmand vm0, vm1;
	vm1 =	vlt.f32 v25, v43;
	v18 =	vmul.f32 v18, v18  }
0x2c: {  	v23 =	vld.idx.msk [tilespmem:v41+s4+$0x0], $0xffff;
	v30 =	vsel vm0, $0xFFFFFFFF, v9;
	v58 =	vsel vm1, $0xFFFFFFFF, v9;
	v19 =	vadd.f32 v22, v19  }
0x2d: {  	v36 =	vld.idx.msk [tilespmem:v36+s4+$0x0], $0xffff;
	v22 =	vmul.f32 v26, v26;
	v30 =	vadd.s32 v30, v37;
	v20 =	vadd.s32 v20, v58  }
0x2e: {  	v26 =	vmul.f32 v21, v21;
	vm0 =	veq.s32 v30, $0x0;
	v24 =	vcvt.s32.f32 v20  }
0x2f: {  	v60 =	vld.idx.msk [tilespmem:v38+s4+$0x0], $0xffff;
	vm1 =	veq.s32 v30, $0x1;
	v21 =	vand.u32 $0x1, v20;
	v29 =	vadd.f32 v17, v22  }
0x30: {  	v17 =	vsub.f32 v28, v56;
	v22 =	vsub.f32 v27, v59;
	v27 =	vmul.f32 v33, v33  }
0x31: {  	v23 =	vsub.f32 v23, v57;
	vm3 =	veq.s32 v21, $0x1;
	v28 =	vsel vm0, $0x3F800000, v3  }
0x32: {  	vm2 =	veq.f32 v25, v24;
	v25 =	vsub.f32 v36, v57;
	v27 =	vmul.f32 v28, v27  }
0x33: {  	v24 =	vsel vm1, $0x3F800000, v3;
	v28 =	vmul.f32 v31, v31;
	v31 =	vmul.f32 v17, v17  }
0x34: {  	v17 =	vsub.f32 v60, v56;
	vm1 =	vmand vm2, vm3;
	v21 =	vmul.f32 v25, v25  }
0x35: {  	v25 =	vmul.f32 v23, v23;
	v23 =	vsel vm1, $0xFFFFFFFF, v9;
	vm1 =	veq.s32 v30, $0x2  }
0x36: {  	v33 =	vmul.f32 v17, v17;
	v17 =	vimm.f32 $0.0e+00;
	v62 =	vadd.s32 v23, v20  }
0x37: {  	v23 =	vmul.f32 v22, v22;
	v20 =	vsel vm1, $0x3EAAAAAB, v3;
	vm1 =	veq.s32 v30, $0x3  }
0x38: {  	vm0 =	veq.s32 v62, $0x1;
	vm2 =	veq.s32 v62, $0x2;
	vm3 =	veq.s32 v62, $0x3  }
0x39: {  	s7 =	simm.s32 $0x0;
	s8 =	simm.s32 $0xC0;
	v22 =	vsel vm1, $0x3EAAAAAB, v3;
	vm1 =	veq.s32 v62, $0x0;
	v30 =	vsel vm3, $0x3EAAAAAB, v3  }
.LBB2_1:
0x3a: {  	s9 =	sadd.s32 $0xFFFFFFC0, s8;
	v36 =	vor.u32 s8, v0;
	s7 =	sadd.s32 $0x2, s7;
	v37 =	vsel vm2, $0x3EAAAAAB, v3;
	v26 =	vadd.f32 v26, v29;
	s6 =	sadd.s32 $0x100, s6  }
0x3b: {  	s10 =	sadd.s32 $0xFFFFFF80, s6;
	v29 =	vor.u32 s9, v0;
	v38 =	vor.u32 s9, v2;
	p0 =	slt.u32 s7, $0x1E;
	v35 =	vmul.f32 v35, v35  }
0x3c: {  	v41 =	vor.u32 s6, v4;
	v39 =	vor.u32 s10, v1;
	v40 =	vor.u32 s10, v4  }
0x3d: {  	v34 =	vmul.f32 v34, v34;
	v42 =	vor.u32 s10, v12;
	v43 =	vor.u32 s10, v10  }
0x3e: {  	v44 =	vor.u32 s9, v5;
	v45 =	vor.u32 s10, v8;
	v26 =	vmul.f32 v37, v26  }
0x3f: {  	v24 =	vmul.f32 v24, v33;
	v37 =	vor.u32 s10, v13;
	v46 =	vor.u32 s10, v6;
	v36 =	vld.idx.msk [tilespmem:v36+s5+$0x0], $0xffff  }
0x40: {  	v19 =	vadd.f32 v32, v19;
	v21 =	vadd.f32 v21, v31;
	v33 =	vld.idx.msk [tilespmem:v38+s5+$0x0], $0xffff;
	v38 =	vor.u32 s9, v7  }
0x41: {  	v31 =	vor.u32 s10, v11;
	v24 =	vadd.f32 v24, v27;
	v25 =	vadd.f32 v25, v34;
	v32 =	vld.idx.msk [tilespmem:v40+s4+$0x0], $0xffff  }
0x42: {  	v19 =	vmul.f32 v19, v30;
	v34 =	vsel vm1, $0x3F800000, v3;
	v27 =	vld.idx.msk [tilespmem:v29+s5+$0x0], $0xffff;
	v29 =	vor.u32 s8, v16  }
0x43: {  	v21 =	vadd.f32 v23, v21;
	v25 =	vadd.f32 v35, v25;
	v40 =	vsel vm0, $0x3F800000, v3;
	v30 =	vld.idx.msk [tilespmem:v44+s5+$0x0], $0xffff  }
0x44: {  	v28 =	vmul.f32 v34, v28;
	v35 =	vor.u32 s8, v14;
	v44 =	vor.u32 s6, v1;
	v23 =	vld.idx.msk [tilespmem:v46+s4+$0x0], $0xffff  }
0x45: {  	v18 =	vmul.f32 v40, v18;
	v36 =	vadd.f32 $5.000000000e-01, v36;
	v34 =	vld.idx.msk [tilespmem:v45+s4+$0x0], $0xffff;
	v45 =	vor.u32 s6, v6  }
0x46: {  	v21 =	vmul.f32 v21, v22;
	v46 =	vor.u32 s6, v10;
	v40 =	vld.idx.msk [tilespmem:v43+s4+$0x0], $0xffff;
	v43 =	vor.u32 s6, v11  }
0x47: {  	v47 =	vor.u32 s6, v8;
	v20 =	vmul.f32 v20, v25;
	v22 =	vld.idx.msk [tilespmem:v38+s5+$0x0], $0xffff;
	v38 =	vtrunc.f32 v36  }
0x48: {  	v18 =	vadd.f32 v18, v28;
	v25 =	vld.idx.msk [tilespmem:v39+s4+$0x0], $0xffff;
	v39 =	vcvt.f32.s32 v38;
	vm0 =	vlt.f32 v36, v38  }
0x49: {  	v20 =	vadd.f32 v24, v20;
	v32 =	vsub.f32 v32, v33;
	v38 =	vor.u32 s8, v15;
	v28 =	vld.idx.msk [tilespmem:v42+s4+$0x0], $0xffff  }
0x4a: {  	v18 =	vadd.f32 v18, v26;
	v42 =	vor.u32 s6, v12;
	v24 =	vld.idx.msk [tilespmem:v37+s4+$0x0], $0xffff;
	v37 =	vsel vm0, $0xFFFFFFFF, v9  }
0x4b: {  	v20 =	vadd.f32 v20, v21;
	v27 =	vadd.f32 $5.000000000e-01, v27;
	v26 =	vadd.s32 v39, v37;
	v37 =	vld.idx.msk [tilespmem:v46+s4+$0x0], $0xffff  }
0x4c: {  	v18 =	vadd.f32 v18, v19;
	v39 =	vor.u32 s6, v13;
	v21 =	vld.idx.msk [tilespmem:v31+s4+$0x0], $0xffff;
	v31 =	vcvt.s32.f32 v26  }
0x4d: {  	v19 =	vtrunc.f32 v27;
	v46 =	vsub.f32 v23, v22;
	v23 =	vand.u32 $0x1, v26;
	v44 =	vld.idx.msk [tilespmem:v44+s4+$0x0], $0xffff  }
0x4e: {  	v17 =	vadd.f32 v18, v17;
	v40 =	vsub.f32 v40, v30;
	vm0 =	veq.f32 v36, v31;
	v31 =	vld.idx.msk [tilespmem:v41+s4+$0x0], $0xffff  }
0x4f: {  	vm1 =	veq.s32 v23, $0x1;
	v28 =	vsub.f32 v28, v30;
	v35 =	vld.idx.msk [tilespmem:v35+s5+$0x0], $0xffff  }
0x50: {  	v18 =	vsub.f32 v34, v33;
	v17 =	vadd.f32 v20, v17;
	v23 =	vmul.f32 v32, v32;
	v30 =	vld.idx.msk [tilespmem:v42+s4+$0x0], $0xffff  }
0x51: {  	v20 =	vcvt.f32.s32 v19;
	v32 =	vmul.f32 v40, v40;
	vm0 =	vmand vm0, vm1;
	v34 =	vld.idx.msk [tilespmem:v38+s5+$0x0], $0xffff  }
0x52: {  	vm1 =	vlt.f32 v27, v19;
	v19 =	vsel vm0, $0xFFFFFFFF, v9;
	v21 =	vsub.f32 v21, v33;
	v36 =	vld.idx.msk [tilespmem:v29+s5+$0x0], $0xffff  }
0x53: {  	v18 =	vmul.f32 v18, v18;
	v38 =	vadd.s32 v19, v26;
	v29 =	vsel vm1, $0xFFFFFFFF, v9;
	v40 =	vld.idx.msk [tilespmem:v43+s4+$0x0], $0xffff  }
0x54: {  	v33 =	vsub.f32 v25, v33;
	vm0 =	veq.s32 v38, $0x0;
	v20 =	vadd.s32 v20, v29;
	v25 =	vld.idx.msk [tilespmem:v45+s4+$0x0], $0xffff  }
0x55: {  	v22 =	vsub.f32 v24, v22;
	v19 =	vadd.f32 v32, v23;
	v29 =	vcvt.s32.f32 v20;
	v39 =	vld.idx.msk [tilespmem:v39+s4+$0x0], $0xffff  }
0x56: {  	v23 =	vmul.f32 v28, v28;
	v21 =	vmul.f32 v21, v21;
	v28 =	vsub.f32 v44, v35  }
0x57: {  	v26 =	vmul.f32 v22, v22;
	vm1 =	veq.s32 v38, $0x1;
	v22 =	vsub.f32 v30, v34  }
0x58: {  	v24 =	vand.u32 $0x1, v20;
	vm2 =	veq.f32 v27, v29;
	v27 =	vsub.f32 v37, v34  }
0x59: {  	vm3 =	veq.s32 v24, $0x1;
	v29 =	vadd.f32 v23, v21;
	v30 =	vsub.f32 v31, v35  }
0x5a: {  	v24 =	vsel vm1, $0x3F800000, v3;
	v21 =	vmul.f32 v27, v27;
	v23 =	vsub.f32 v25, v36;
	v32 =	vld.idx.msk [tilespmem:v47+s4+$0x0], $0xffff  }
0x5b: {  	vm1 =	vmand vm2, vm3;
	v27 =	vmul.f32 v28, v28;
	v25 =	vmul.f32 v22, v22  }
0x5c: {  	v28 =	vsel vm0, $0x3F800000, v3;
	v22 =	vsel vm1, $0xFFFFFFFF, v9;
	vm1 =	veq.s32 v38, $0x2  }
0x5d: {  	v34 =	vadd.s32 v22, v20;
	v27 =	vmul.f32 v28, v27;
	v23 =	vmul.f32 v23, v23  }
.Ltmp0:
0x5e: {  	v20 =	vsel vm1, $0x3EAAAAAB, v3;
	vm1 =	veq.s32 v38, $0x3;
	vm0 =	veq.s32 v34, $0x1;
	(pc) =	sbr.rel @p0 .LBB2_1-.Ltmp0, $4  }
0x5f: {  	v31 =	vmul.f32 v30, v30;
	v28 =	vmul.f32 v33, v33;
	vm2 =	veq.s32 v34, $0x2  }
0x60: {  	vm3 =	veq.s32 v34, $0x3;
	v22 =	vsel vm1, $0x3EAAAAAB, v3;
	v33 =	vsub.f32 v32, v35  }
0x61: {  	vm1 =	veq.s32 v34, $0x0;
	v30 =	vsel vm3, $0x3EAAAAAB, v3;
	v32 =	vmul.f32 v46, v46  }
0x62: {  	s8 =	sadd.s32 $0x80, s8;
	v34 =	vsub.f32 v40, v35;
	v35 =	vsub.f32 v39, v36;
	v33 =	vmul.f32 v33, v33  }
0x63: {  	v1 =	vadd.f32 v26, v29;
	v5 =	vsel vm1, $0x3F800000, v3  }
0x64: {  	v6 =	vsel vm0, $0x3F800000, v3;
	v7 =	vadd.f32 v32, v19;
	v0 =	vmul.f32 v34, v34  }
0x65: {  	v3 =	vsel vm2, $0x3EAAAAAB, v3;
	v5 =	vmul.f32 v5, v28;
	v6 =	vmul.f32 v6, v18  }
0x66: {  	v2 =	vmul.f32 v35, v35;
	v4 =	vmul.f32 v24, v33;
	v0 =	vadd.f32 v25, v0  }
0x67: {  	v8 =	vadd.f32 v21, v31;
	v1 =	vmul.f32 v3, v1;
	v3 =	vadd.f32 v6, v5  }
0x68: {  	v6 =	vlaneseq.u32;
	v0 =	vadd.f32 v2, v0;
	v2 =	vadd.f32 v4, v27  }
0x69: {  	s4 =	simm.s32 $0x2;
	v4 =	vadd.f32 v23, v8;
	v3 =	vadd.f32 v3, v1;
	v1 =	vmul.u32 $0x8, v6  }
0x6a: {  	s8 =	simm.s32 $0x1000;
	_ =	swait.ge [sflag:s4], $0x1000;
	v7 =	vmul.f32 v7, v30  }
0x6b: {  	[sflag:s4] =	ssyncset.done $0x0;
	v8 =	vmul.f32 v4, v22;
	v4 =	vor.u32 $0x5, v1;
	v28 =	vor.u32 s8, v1  }
0x6c: {  	[sflag:s4] =	ssyncadd.s32 $0xFFFFF000;
	v5 =	vmul.f32 v20, v0;
	v11 =	vor.u32 $0x6, v1;
	v13 =	vor.u32 s8, v4  }
0x6d: {  	_ =	swait.ge [sflag:s4], $0x800;
	v0 =	vmul.u32 $0x4, v6;
	v14 =	vor.u32 $0x4, v1;
	v22 =	vor.u32 s8, v11  }
0x6e: {  	s7 =	simm.s32 $0x840;
	[sflag:s4] =	ssyncset.done $0x0;
	v30 =	vor.u32 s8, v14  }
0x6f: {  	s6 =	simm.s32 $0x800;
	s5 =	simm.s32 $0x0;
	[sflag:s4] =	ssyncadd.s32 $0xFFFFF800;
	v2 =	vadd.f32 v2, v5;
	v5 =	vadd.f32 v3, v7;
	v9 =	vor.u32 s7, v0  }
0x70: {  	v3 =	vor.u32 $0x1, v0;
	v15 =	vor.u32 s6, v0;
	v7 =	vor.u32 $0x3, v0;
	v28 =	vld.idx.msk [tilespmem:v28+s5+$0x0], $0xffff  }
0x71: {  	v12 =	vor.u32 s6, v3;
	v24 =	vor.u32 s6, v7;
	v23 =	vld.idx.msk [tilespmem:v13+s5+$0x0], $0xffff  }
0x72: {  	v2 =	vadd.f32 v2, v8;
	v6 =	vadd.f32 v5, v17;
	v5 =	vor.u32 $0x2, v0;
	v22 =	vld.idx.msk [tilespmem:v22+s5+$0x0], $0xffff  }
0x73: {  	s4 =	simm.s32 $0x2000;
	v8 =	vor.u32 $0x1, v1;
	v17 =	vor.u32 s6, v5;
	v30 =	vld.idx.msk [tilespmem:v30+s5+$0x0], $0xffff  }
0x74: {  	v20 =	vor.u32 s8, v8;
	v2 =	vadd.f32 v2, v6;
	v6 =	vor.u32 $0x7, v1;
	v19 =	vld.idx.msk [tilespmem:v9+s4+$0x0], $0xffff  }
0x75: {  	v16 =	vor.u32 $0x42, v0;
	v13 =	vor.u32 $0x3, v1;
	v18 =	vor.u32 s8, v6;
	v25 =	vld.idx.msk [tilespmem:v15+s4+$0x0], $0xffff  }
0x76: {  	v10 =	vimm.s32 $0x0;
	v56 =	vor.u32 s7, v16;
	s6 =	simm.s32 $0x1080;
	v26 =	vor.u32 s8, v13;
	v21 =	vld.idx.msk [tilespmem:v12+s4+$0x0], $0xffff  }
0x77: {  	v29 =	vor.u32 s6, v4;
	v55 =	vor.u32 s6, v8;
	v15 =	vor.u32 $0x41, v0;
	v24 =	vld.idx.msk [tilespmem:v24+s4+$0x0], $0xffff  }
0x78: {  	v53 =	vor.u32 s6, v1;
	v12 =	vor.u32 $0x2, v1;
	v52 =	vor.u32 s7, v15;
	v27 =	vld.idx.msk [tilespmem:v17+s4+$0x0], $0xffff  }
0x79: {  	v36 =	vor.u32 s6, v11;
	v43 =	vor.u32 s6, v14;
	v31 =	vor.u32 s8, v12;
	v20 =	vld.idx.msk [tilespmem:v20+s5+$0x0], $0xffff  }
0x7a: {  	v9 =	vimm.f32 $0.0e+00;
	v54 =	vor.u32 s6, v6;
	v18 =	vld.idx.msk [tilespmem:v18+s5+$0x0], $0xffff;
	v19 =	vadd.f32 $5.000000000e-01, v19  }
0x7b: {  	v41 =	vor.u32 s6, v13;
	v38 =	vor.u32 s6, v12;
	v17 =	vor.u32 $0x43, v0;
	v26 =	vld.idx.msk [tilespmem:v26+s5+$0x0], $0xffff  }
0x7c: {  	v51 =	vor.u32 s7, v17;
	v60 =	vld.idx.msk [tilespmem:v55+s5+$0x0], $0xffff;
	v25 =	vadd.f32 $5.000000000e-01, v25;
	v37 =	vtrunc.f32 v19  }
0x7d: {  	v33 =	vld.idx.msk [tilespmem:v52+s4+$0x0], $0xffff;
	v28 =	vsub.f32 v28, v21;
	v39 =	vcvt.f32.s32 v37;
	vm0 =	vlt.f32 v19, v37  }
0x7e: {  	v23 =	vsub.f32 v23, v21;
	v31 =	vld.idx.msk [tilespmem:v31+s5+$0x0], $0xffff;
	v22 =	vsub.f32 v22, v27;
	v40 =	vsel vm0, $0xFFFFFFFF, v10  }
0x7f: {  	v44 =	vtrunc.f32 v25;
	v28 =	vmul.f32 v28, v28;
	v39 =	vadd.s32 v39, v40  }
0x80: {  	v62 =	vld.idx.msk [tilespmem:v43+s5+$0x0], $0xffff;
	v45 =	vsub.f32 v18, v24;
	v26 =	vsub.f32 v26, v27;
	v22 =	vmul.f32 v22, v22  }
0x81: {  	v59 =	vld.idx.msk [tilespmem:v51+s4+$0x0], $0xffff;
	v24 =	vsub.f32 v30, v24;
	v42 =	vcvt.s32.f32 v39;
	v18 =	vand.u32 $0x1, v39  }
0x82: {  	v34 =	vld.idx.msk [tilespmem:v53+s5+$0x0], $0xffff;
	v37 =	vsub.f32 v60, v33;
	vm1 =	veq.s32 v18, $0x1;
	v18 =	vsub.f32 v20, v21  }
0x83: {  	v61 =	vld.idx.msk [tilespmem:v38+s5+$0x0], $0xffff;
	v31 =	vsub.f32 v31, v21;
	v30 =	vmul.f32 v26, v26;
	v26 =	vmul.f32 v24, v24  }
0x84: {  	v27 =	vld.idx.msk [tilespmem:v56+s4+$0x0], $0xffff;
	v32 =	vmul.f32 v45, v45;
	vm0 =	veq.f32 v19, v42;
	v19 =	vmul.f32 v23, v23  }
0x85: {  	v20 =	vld.idx.msk [tilespmem:v41+s5+$0x0], $0xffff;
	v23 =	vcvt.f32.s32 v44;
	vm0 =	vmand vm0, vm1;
	vm1 =	vlt.f32 v25, v44  }
0x86: {  	v58 =	vld.idx.msk [tilespmem:v29+s5+$0x0], $0xffff;
	v18 =	vmul.f32 v18, v18;
	v35 =	vsub.f32 v62, v59;
	v57 =	vsel vm0, $0xFFFFFFFF, v10  }
0x87: {  	v36 =	vld.idx.msk [tilespmem:v36+s5+$0x0], $0xffff;
	v29 =	vsel vm1, $0xFFFFFFFF, v10;
	v19 =	vadd.f32 v22, v19;
	v22 =	vmul.f32 v31, v31  }
0x88: {  	v21 =	vld.idx.msk [tilespmem:v54+s5+$0x0], $0xffff;
	v31 =	vsub.f32 v34, v33;
	v39 =	vadd.s32 v57, v39;
	v23 =	vadd.s32 v23, v29  }
0x89: {  	v34 =	vsub.f32 v61, v33;
	vm0 =	veq.s32 v39, $0x0;
	v29 =	vcvt.s32.f32 v23  }
0x8a: {  	vm1 =	veq.s32 v39, $0x1;
	v20 =	vsub.f32 v20, v27;
	v24 =	vand.u32 $0x1, v23  }
0x8b: {  	vm3 =	veq.s32 v24, $0x1;
	v24 =	vsub.f32 v58, v33;
	v33 =	vmul.f32 v37, v37  }
0x8c: {  	vm2 =	veq.f32 v25, v29;
	v25 =	vsub.f32 v36, v27;
	v29 =	vadd.f32 v30, v22  }
0x8d: {  	v22 =	vsel vm1, $0x3F800000, v9;
	v30 =	vsub.f32 v21, v59;
	v27 =	vmul.f32 v31, v31  }
0x8e: {  	v31 =	vsel vm0, $0x3F800000, v9;
	vm1 =	vmand vm2, vm3;
	v21 =	vmul.f32 v25, v25  }
0x8f: {  	v25 =	vmul.f32 v20, v20;
	v20 =	vsel vm1, $0xFFFFFFFF, v10;
	vm1 =	veq.s32 v39, $0x2  }
0x90: {  	v27 =	vmul.f32 v31, v27;
	v31 =	vmul.f32 v24, v24;
	v63 =	vadd.s32 v20, v23  }
0x91: {  	v23 =	vmul.f32 v30, v30;
	v20 =	vsel vm1, $0x3EAAAAAB, v9;
	vm1 =	veq.s32 v39, $0x3  }
0x92: {  	vm0 =	veq.s32 v63, $0x1;
	vm2 =	veq.s32 v63, $0x2;
	vm3 =	veq.s32 v63, $0x3  }
0x93: {  	s8 =	simm.s32 $0x8C0;
	s7 =	simm.s32 $0x20;
	v24 =	vsel vm1, $0x3EAAAAAB, v9;
	vm1 =	veq.s32 v63, $0x0;
	v30 =	vsel vm3, $0x3EAAAAAB, v9  }
.LBB2_3:
0x94: {  	s9 =	sadd.s32 $0xFFFFFFC0, s8;
	v36 =	vor.u32 s8, v0;
	s7 =	sadd.s32 $0x2, s7;
	v37 =	vsel vm2, $0x3EAAAAAB, v9;
	v26 =	vadd.f32 v26, v29;
	s6 =	sadd.s32 $0x100, s6  }
0x95: {  	s10 =	sadd.s32 $0xFFFFFF80, s6;
	v29 =	vor.u32 s9, v0;
	v38 =	vor.u32 s9, v3;
	p0 =	slt.u32 s7, $0x3E;
	v35 =	vmul.f32 v35, v35  }
0x96: {  	v41 =	vor.u32 s6, v4;
	v39 =	vor.u32 s10, v1;
	v40 =	vor.u32 s10, v4  }
0x97: {  	v34 =	vmul.f32 v34, v34;
	v42 =	vor.u32 s10, v13;
	v43 =	vor.u32 s10, v11  }
0x98: {  	v44 =	vor.u32 s9, v5;
	v45 =	vor.u32 s10, v8;
	v26 =	vmul.f32 v37, v26  }
0x99: {  	v22 =	vmul.f32 v22, v33;
	v37 =	vor.u32 s10, v14;
	v46 =	vor.u32 s10, v6;
	v36 =	vld.idx.msk [tilespmem:v36+s4+$0x0], $0xffff  }
0x9a: {  	v19 =	vadd.f32 v32, v19;
	v21 =	vadd.f32 v21, v31;
	v33 =	vld.idx.msk [tilespmem:v38+s4+$0x0], $0xffff;
	v38 =	vor.u32 s9, v7  }
0x9b: {  	v31 =	vor.u32 s10, v12;
	v22 =	vadd.f32 v22, v27;
	v25 =	vadd.f32 v25, v34;
	v32 =	vld.idx.msk [tilespmem:v40+s5+$0x0], $0xffff  }
0x9c: {  	v19 =	vmul.f32 v19, v30;
	v34 =	vsel vm1, $0x3F800000, v9;
	v27 =	vld.idx.msk [tilespmem:v29+s4+$0x0], $0xffff;
	v29 =	vor.u32 s8, v17  }
0x9d: {  	v21 =	vadd.f32 v23, v21;
	v25 =	vadd.f32 v35, v25;
	v40 =	vsel vm0, $0x3F800000, v9;
	v30 =	vld.idx.msk [tilespmem:v44+s4+$0x0], $0xffff  }
0x9e: {  	v28 =	vmul.f32 v34, v28;
	v35 =	vor.u32 s8, v15;
	v44 =	vor.u32 s6, v1;
	v23 =	vld.idx.msk [tilespmem:v46+s5+$0x0], $0xffff  }
0x9f: {  	v18 =	vmul.f32 v40, v18;
	v36 =	vadd.f32 $5.000000000e-01, v36;
	v34 =	vld.idx.msk [tilespmem:v45+s5+$0x0], $0xffff;
	v45 =	vor.u32 s6, v6  }
0xa0: {  	v21 =	vmul.f32 v21, v24;
	v46 =	vor.u32 s6, v11;
	v40 =	vld.idx.msk [tilespmem:v43+s5+$0x0], $0xffff;
	v43 =	vor.u32 s6, v12  }
0xa1: {  	v47 =	vor.u32 s6, v8;
	v20 =	vmul.f32 v20, v25;
	v24 =	vld.idx.msk [tilespmem:v38+s4+$0x0], $0xffff;
	v38 =	vtrunc.f32 v36  }
0xa2: {  	v18 =	vadd.f32 v18, v28;
	v25 =	vld.idx.msk [tilespmem:v39+s5+$0x0], $0xffff;
	v39 =	vcvt.f32.s32 v38;
	vm0 =	vlt.f32 v36, v38  }
0xa3: {  	v20 =	vadd.f32 v22, v20;
	v32 =	vsub.f32 v32, v33;
	v38 =	vor.u32 s8, v16;
	v28 =	vld.idx.msk [tilespmem:v42+s5+$0x0], $0xffff  }
0xa4: {  	v18 =	vadd.f32 v18, v26;
	v42 =	vor.u32 s6, v13;
	v22 =	vld.idx.msk [tilespmem:v37+s5+$0x0], $0xffff;
	v37 =	vsel vm0, $0xFFFFFFFF, v10  }
0xa5: {  	v20 =	vadd.f32 v20, v21;
	v27 =	vadd.f32 $5.000000000e-01, v27;
	v26 =	vadd.s32 v39, v37;
	v37 =	vld.idx.msk [tilespmem:v46+s5+$0x0], $0xffff  }
0xa6: {  	v18 =	vadd.f32 v18, v19;
	v39 =	vor.u32 s6, v14;
	v21 =	vld.idx.msk [tilespmem:v31+s5+$0x0], $0xffff;
	v31 =	vcvt.s32.f32 v26  }
0xa7: {  	v19 =	vtrunc.f32 v27;
	v46 =	vsub.f32 v23, v24;
	v23 =	vand.u32 $0x1, v26;
	v44 =	vld.idx.msk [tilespmem:v44+s5+$0x0], $0xffff  }
0xa8: {  	v2 =	vadd.f32 v18, v2;
	v40 =	vsub.f32 v40, v30;
	vm0 =	veq.f32 v36, v31;
	v31 =	vld.idx.msk [tilespmem:v41+s5+$0x0], $0xffff  }
0xa9: {  	vm1 =	veq.s32 v23, $0x1;
	v28 =	vsub.f32 v28, v30;
	v35 =	vld.idx.msk [tilespmem:v35+s4+$0x0], $0xffff  }
0xaa: {  	v18 =	vsub.f32 v34, v33;
	v2 =	vadd.f32 v20, v2;
	v23 =	vmul.f32 v32, v32;
	v30 =	vld.idx.msk [tilespmem:v42+s5+$0x0], $0xffff  }
0xab: {  	v20 =	vcvt.f32.s32 v19;
	v32 =	vmul.f32 v40, v40;
	vm0 =	vmand vm0, vm1;
	v34 =	vld.idx.msk [tilespmem:v38+s4+$0x0], $0xffff  }
0xac: {  	vm1 =	vlt.f32 v27, v19;
	v19 =	vsel vm0, $0xFFFFFFFF, v10;
	v21 =	vsub.f32 v21, v33;
	v36 =	vld.idx.msk [tilespmem:v29+s4+$0x0], $0xffff  }
0xad: {  	v18 =	vmul.f32 v18, v18;
	v38 =	vadd.s32 v19, v26;
	v29 =	vsel vm1, $0xFFFFFFFF, v10;
	v40 =	vld.idx.msk [tilespmem:v43+s5+$0x0], $0xffff  }
0xae: {  	v33 =	vsub.f32 v25, v33;
	vm0 =	veq.s32 v38, $0x0;
	v20 =	vadd.s32 v20, v29;
	v25 =	vld.idx.msk [tilespmem:v45+s5+$0x0], $0xffff  }
0xaf: {  	v22 =	vsub.f32 v22, v24;
	v19 =	vadd.f32 v32, v23;
	v29 =	vcvt.s32.f32 v20;
	v39 =	vld.idx.msk [tilespmem:v39+s5+$0x0], $0xffff  }
0xb0: {  	v23 =	vmul.f32 v28, v28;
	v21 =	vmul.f32 v21, v21;
	v24 =	vsub.f32 v44, v35  }
0xb1: {  	v26 =	vmul.f32 v22, v22;
	vm1 =	veq.s32 v38, $0x1;
	v28 =	vsub.f32 v30, v34  }
0xb2: {  	v22 =	vand.u32 $0x1, v20;
	vm2 =	veq.f32 v27, v29;
	v27 =	vsub.f32 v37, v34  }
0xb3: {  	vm3 =	veq.s32 v22, $0x1;
	v29 =	vadd.f32 v23, v21;
	v30 =	vsub.f32 v31, v35  }
0xb4: {  	v22 =	vsel vm1, $0x3F800000, v9;
	v21 =	vmul.f32 v27, v27;
	v23 =	vsub.f32 v25, v36;
	v32 =	vld.idx.msk [tilespmem:v47+s5+$0x0], $0xffff  }
0xb5: {  	v24 =	vmul.f32 v24, v24;
	vm1 =	vmand vm2, vm3;
	v25 =	vmul.f32 v28, v28  }
0xb6: {  	v27 =	vsel vm1, $0xFFFFFFFF, v10;
	vm1 =	veq.s32 v38, $0x2;
	v28 =	vsel vm0, $0x3F800000, v9  }
0xb7: {  	v34 =	vadd.s32 v27, v20;
	v27 =	vmul.f32 v28, v24;
	v23 =	vmul.f32 v23, v23  }
.Ltmp1:
0xb8: {  	v20 =	vsel vm1, $0x3EAAAAAB, v9;
	vm1 =	veq.s32 v38, $0x3;
	vm0 =	veq.s32 v34, $0x1;
	(pc) =	sbr.rel @p0 .LBB2_3-.Ltmp1, $4  }
0xb9: {  	v31 =	vmul.f32 v30, v30;
	vm2 =	veq.s32 v34, $0x2;
	v28 =	vmul.f32 v33, v33  }
0xba: {  	vm3 =	veq.s32 v34, $0x3;
	v24 =	vsel vm1, $0x3EAAAAAB, v9;
	v33 =	vsub.f32 v32, v35  }
0xbb: {  	vm1 =	veq.s32 v34, $0x0;
	v30 =	vsel vm3, $0x3EAAAAAB, v9;
	v32 =	vmul.f32 v46, v46  }
0xbc: {  	s8 =	sadd.s32 $0x80, s8;
	v34 =	vsub.f32 v40, v35;
	v35 =	vsub.f32 v39, v36;
	v33 =	vmul.f32 v33, v33  }
0xbd: {  	_ = 	snop  }
0xbe: {  	v0 =	vsel vm2, $0x3EAAAAAB, v9;
	v1 =	vadd.f32 v26, v29;
	v3 =	vmul.f32 v34, v34  }
0xbf: {  	v5 =	vsel vm1, $0x3F800000, v9;
	v6 =	vsel vm0, $0x3F800000, v9;
	v4 =	vmul.f32 v35, v35  }
0xc0: {  	v5 =	vmul.f32 v5, v28;
	v6 =	vmul.f32 v6, v18;
	v3 =	vadd.f32 v25, v3  }
0xc1: {  	v8 =	vadd.f32 v32, v19;
	v57 =	vadd.f32 v21, v31;
	v7 =	vmul.f32 v22, v33  }
0xc2: {  	v0 =	vmul.f32 v0, v1;
	v59 =	vadd.f32 v6, v5;
	v58 =	vadd.f32 v4, v3  }
0xc3: {  	v61 =	vmul.f32 v8, v30;
	v62 =	vadd.f32 v23, v57  }
0xc4: {  	v60 =	vadd.f32 v7, v27;
	v0 =	vadd.f32 v59, v0;
	v1 =	vmul.f32 v20, v58;
	_ =	sdelay $0x1  }
0xc5: {  	v63 =	vmul.f32 v62, v24;
	v0 =	vadd.f32 v0, v61;
	v1 =	vadd.f32 v60, v1;
	_ =	sdelay $0x1  }
0xc6: {  	v0 =	vadd.f32 v0, v2;
	v1 =	vadd.f32 v1, v63;
	_ =	sdelay $0x1  }
0xc7: {  	v0 =	vadd.f32 v1, v0;
	_ =	sdelay $0x1  }
0xc8: {  	v0 =	vmul.f32 $6.103515630e-05, v0  }
0xc9: {  	s4 =	sshll.u32 s3, $0x4  }
0xca: {  	s5 =	simm.s32 $0x3000;
	s31 =	simm.s32 $0x3;
	s4 =	sadd.s32 s4, s2;
	[tilespmem:$0x3000] =	vst v0  }
0xcb: {  	[spmem:s4] =	stream.linear.scatter [tilespmem:s5], [sflag:$0x3], $0x10, $0x38;
	[tilespmem:$0x3210] =	vst v63  }
0xcc: {  	_ =	swait.ge [sflag:s31], $0x10  }
0xcd: {  	[sflag:s31] =	ssyncset.done $0x0  }
0xce: {  	[sflag:s31] =	ssyncadd.s32 $0xFFFFFFF0  }
0xcf: {  	p0 =	sne.s32 s3, $0x0;
	[bflag:$0x0] =	sbarrier.arrive $0xFFFF  }
0xd0: {  	_ =	sfence.sel @p0 $0x180000  }
0xd1: {  	[bflag:$0x0] =	sbarrier.arrive @p0 $0xFFFF  }
0xd2: {  	_ =	strace @p0 $0x90000047  }
0xd3: {  	s3 =	simm.s32 @!p0 $0x3080;
	[bflag:$0x2] =	sbarrier.arrive @p0 $0xFFFF  }
0xd4: {  	[tilespmem:s3], [sflag:$0x3] =	stream.linear.gather @!p0 [spmem:s2], $0x100, $0x38;
	[tilespmem:$0x3210] =	vst v63  }
0xd5: {  	s2 =	simm.s32 @!p0 $0x3  }
0xd6: {  	_ =	swait.ge @!p0 [sflag:s2], $0x100  }
0xd7: {  	[sflag:s2] =	ssyncset.done @!p0 $0x0  }
0xd8: {  	[sflag:s2] =	ssyncadd.s32 @!p0 $0xFFFFFF00  }
0xd9: {  	v0 =	vld @!p0 [tilespmem:$0x3080]  }
0xda: {  	v1 =	vld @!p0 [tilespmem:$0x3090];
	_ =	sdelay $0x1  }
0xdb: {  	v2 =	vld @!p0 [tilespmem:$0x30A0];
	_ =	sdelay $0x1  }
0xdc: {  	v3 =	vld @!p0 [tilespmem:$0x30B0]  }
0xdd: {  	v0 =	vadd.f32 @!p0 v1, v0  }
0xde: {  	v1 =	vld @!p0 [tilespmem:$0x30C0]  }
0xdf: {  	v0 =	vadd.f32 @!p0 v2, v0  }
0xe0: {  	v2 =	vld @!p0 [tilespmem:$0x30D0]  }
0xe1: {  	v0 =	vadd.f32 @!p0 v3, v0  }
0xe2: {  	v3 =	vld @!p0 [tilespmem:$0x30E0]  }
0xe3: {  	v0 =	vadd.f32 @!p0 v1, v0  }
0xe4: {  	v1 =	vld @!p0 [tilespmem:$0x30F0]  }
0xe5: {  	v0 =	vadd.f32 @!p0 v2, v0  }
0xe6: {  	v2 =	vld @!p0 [tilespmem:$0x3100]  }
0xe7: {  	v0 =	vadd.f32 @!p0 v3, v0  }
0xe8: {  	v3 =	vld @!p0 [tilespmem:$0x3110]  }
0xe9: {  	v0 =	vadd.f32 @!p0 v1, v0  }
0xea: {  	v1 =	vld @!p0 [tilespmem:$0x3120]  }
0xeb: {  	v0 =	vadd.f32 @!p0 v2, v0  }
0xec: {  	v2 =	vld @!p0 [tilespmem:$0x3130]  }
0xed: {  	v0 =	vadd.f32 @!p0 v3, v0  }
0xee: {  	v3 =	vld @!p0 [tilespmem:$0x3140]  }
0xef: {  	v0 =	vadd.f32 @!p0 v1, v0  }
0xf0: {  	v1 =	vld @!p0 [tilespmem:$0x3150]  }
0xf1: {  	v0 =	vadd.f32 @!p0 v2, v0  }
0xf2: {  	v2 =	vld @!p0 [tilespmem:$0x3160]  }
0xf3: {  	v0 =	vadd.f32 @!p0 v3, v0  }
0xf4: {  	v3 =	vld @!p0 [tilespmem:$0x3170]  }
0xf5: {  	v0 =	vadd.f32 @!p0 v1, v0;
	_ =	sdelay $0x1  }
0xf6: {  	v0 =	vadd.f32 @!p0 v2, v0;
	_ =	sdelay $0x1  }
0xf7: {  	v0 =	vadd.f32 @!p0 v3, v0;
	_ =	sdelay $0x1  }
0xf8: {  	(xrf2) =	vadd.scan.msk.f32 @!p0 $0xffff, v0;
	_ =	sdelay $0x9  }
0xf9: {  	v0, _, _ =	vpop @!p0 (xrf2)  }
0xfa: {  	v0 =	vbroadcast @!p0 v0, $0xF;
	_ =	sdelay $0x1  }
0xfb: {  	s4 =	simm.s32 @!p0 $0x3180;
	s3 =	simm.s32 @!p0 $0x0;
	[tilespmem:$0x3180] =	vst @!p0 v0  }
0xfc: {  	[hbm4b:s1+s3] =	stream.linear.scatter @!p0 [tilespmem:s4], [sflag:$0x3], $0x1, $0x38;
	[tilespmem:$0x3210] =	vst v63  }
0xfd: {  	_ =	swait.ge @!p0 [sflag:s2], $0x1  }
0xfe: {  	[sflag:s2] =	ssyncset.done @!p0 $0x0  }
0xff: {  	[sflag:s2] =	ssyncadd.s32 @!p0 $0xFFFFFFFF  }
0x100: {  	_ =	sfence.sel @!p0 $0x180000  }
0x101: {  	[bflag:$0x0] =	sbarrier.arrive @!p0 $0xFFFF  }
0x102: {  	_ =	strace @!p0 $0x90000047  }
0x103: {  	s0 =	sadd.s32 @!p0 $0x100000, s0;
	[bflag:$0x2] =	sbarrier.arrive @!p0 $0xFFFF  }
0x104: {  	[sflag:s0] =	ssyncadd.tile.s32 @!p0 $0x1;
	_ =	shalt  }
.Lfunc_end2:
_tile_overlayer_lowered:
.L_overlay_start_2:
0x105: {  	(tag) =	ssettag $0x2  }
0x106: {  	s0 =	rddreg [dreg:$0x0];
	s2 =	stileid.u32  }
0x107: {  	s1 =	rddreg [dreg:$0x1];
	p0 =	sne.s32 s2, $0x0  }
0x108: {  	s3 =	rddreg [dreg:$0x2];
	[bflag:$0x3] =	sbarrier.arrive $0xFFFF;
	s2 =	simm.s32 @!p0 $0x1C03  }
0x109: {  	[timem:s3], [sflag:s2] =	dma.local @!p0 [hbm:s0], s1  }
0x10a: {  	s0 =	simm.s32 @!p0 $0x3  }
0x10b: {  	_ =	swait.ge @!p0 [sflag:s0], s1  }
0x10c: {  	s1 =	ssub.s32 @!p0 $0x0, s1;
	[sflag:s0] =	ssyncset.done @!p0 $0x0  }
0x10d: {  	[sflag:s0] =	ssyncadd.s32 @!p0 s1  }
0x10e: {  	[bflag:$0x3] =	sbarrier.arrive $0xFFFF  }
0x10f: {  	_ =	shalt  }

</sc_bundles>
